<compile_context>
chip_gen: v7x
topology: tpu7x:2x2x1
jax: 0.10.2.dev20260603
libtpu: 0.0.44.dev20260713+nightly
codegen_flags: <defaults>
</compile_context>

<pallas_src>
import functools

import jax
import jax.numpy as jnp
import numpy as np
from jax import lax
from jax.experimental import pallas as pl
from jax.experimental.pallas import tpu as pltpu
from jax.experimental.pallas import tpu_sc as plsc

_NUM_CORES = 2
_NUM_SUBCORES = 16
_LANES = 16
_NW = _NUM_CORES * _NUM_SUBCORES


_ROT1 = (13, 15, 26, 6)
_ROT2 = (17, 29, 16, 24)
_TINY = np.float32(np.finfo(np.float32).tiny)
_GUMBEL_SCALE = np.float32(np.float32(1.0) - _TINY)
_NORM_LO = np.float32(np.nextafter(np.float32(-1.0), np.float32(0.0)))
_NORM_SCALE = np.float32(np.float32(1.0) - _NORM_LO)
_SQRT2 = np.float32(np.sqrt(2.0))
_EI_C = tuple(np.float32(np.float64(c) * np.sqrt(2.0)) for c in
              (0.88627636, 0.23155648, 0.012536531, -0.0031716377,
               0.000190164))
_EI_T = tuple(np.float32(np.float64(c) * np.sqrt(2.0)) for c in
              (0.14114428, 0.7280727, 0.078130215, -0.007251495))


def _sqrt2_erfinv(u):
    w = -jnp.log((np.float32(1.0) - u) * (np.float32(1.0) + u))
    pc = _EI_C[4]
    for cc in (_EI_C[3], _EI_C[2], _EI_C[1], _EI_C[0]):
        pc = pc * w + cc
    s = jnp.sqrt(w)
    pt = _EI_T[3]
    for cc in (_EI_T[2], _EI_T[1], _EI_T[0]):
        pt = pt * s + cc
    return u * jnp.where(w < np.float32(5.0), pc, pt)


def _rotl(x, r):
    return (x << jnp.uint32(r)) | (x >> jnp.uint32(32 - r))


def _threefry_bits(flat, seed):
    ks1 = np.uint32(seed)
    ks2 = np.uint32(np.uint32(seed) ^ np.uint32(0x1BD11BDA))
    x0 = jnp.zeros_like(flat)
    x1 = flat + ks1

    def grp(x0, x1, rots):
        for r in rots:
            x0 = x0 + x1
            x1 = _rotl(x1, r)
            x1 = x0 ^ x1
        return x0, x1

    x0, x1 = grp(x0, x1, _ROT1)
    x0 = x0 + ks1
    x1 = x1 + jnp.uint32(ks2 + np.uint32(1))
    x0, x1 = grp(x0, x1, _ROT2)
    x0 = x0 + ks2
    x1 = x1 + jnp.uint32(2)
    x0, x1 = grp(x0, x1, _ROT1)
    x1 = x1 + jnp.uint32(ks1 + np.uint32(3))
    x0, x1 = grp(x0, x1, _ROT2)
    x0 = x0 + ks1
    x1 = x1 + jnp.uint32(ks2 + np.uint32(4))
    x0, x1 = grp(x0, x1, _ROT1)
    x0 = x0 + ks2
    x1 = x1 + jnp.uint32(5)
    return x0 ^ x1


def _unit_float(bits):
    fb = (bits >> jnp.uint32(9)) | jnp.uint32(0x3F800000)
    return lax.bitcast_convert_type(fb, jnp.float32) - jnp.float32(1.0)


def _flat_iota_u32(shape):
    r = lax.broadcasted_iota(jnp.int32, shape, 0)
    c = lax.broadcasted_iota(jnp.int32, shape, 1)
    return (r * shape[1] + c).astype(jnp.uint32)


def _sample_body(pis_t_ref, ridx_ref):
    z = pis_t_ref[...]
    k, b = z.shape
    col0 = pl.program_id(0) * b
    r = lax.broadcasted_iota(jnp.int32, (k, b), 0)
    c = lax.broadcasted_iota(jnp.int32, (k, b), 1) + col0
    fu = _unit_float(_threefry_bits((c * k + r).astype(jnp.uint32), 42))
    u = fu * _GUMBEL_SCALE + _TINY
    g = -jnp.log(-jnp.log(u))
    m = jnp.max(z, axis=0, keepdims=True)
    e = jnp.exp(z - m)
    p = e / jnp.sum(e, axis=0, keepdims=True)
    v = g + jnp.log(p)
    vmax = jnp.max(v, axis=0, keepdims=True)
    idx = jnp.min(jnp.where(v == vmax, r, k), axis=0, keepdims=True)
    coli = lax.broadcasted_iota(jnp.int32, (1, b), 1) + col0
    ridx_ref[...] = jnp.reshape(idx + coli * k, ridx_ref.shape)


def _eps_body(eps_ref):
    bd = eps_ref.shape
    row0 = pl.program_id(0) * bd[0]
    fe = _unit_float(_threefry_bits(_flat_iota_u32(bd) +
                                    jnp.uint32(row0 * bd[1]), 43))
    ue = fe * _NORM_SCALE + _NORM_LO
    eps_ref[...] = _sqrt2_erfinv(ue)


def _fma_body(selm_ref, sellv_ref, eps_ref, out_ref):
    out_ref[...] = (selm_ref[...]
                    + jnp.exp(np.float32(0.5) * sellv_ref[...]) * eps_ref[...])


_CHUNKS = 1


def _sc_body(means_hbm, lvs_hbm, ridx_hbm, selm_hbm, sellv_hbm,
             idx_v, mean_v, lv_v, sem_m, sem_l, sem_o, *, b_per_w):
    wid = lax.axis_index("s") * _NUM_CORES + lax.axis_index("c")
    base = wid * b_per_w
    rc = b_per_w // _CHUNKS
    pltpu.sync_copy(ridx_hbm.at[wid], idx_v)
    cms, cls = [], []
    for c in range(_CHUNKS):
        sl_local = pl.ds(c * rc, rc)
        cms.append(pltpu.async_copy(means_hbm.at[idx_v.at[sl_local]],
                                    mean_v.at[sl_local], sem_m))
        cls.append(pltpu.async_copy(lvs_hbm.at[idx_v.at[sl_local]],
                                    lv_v.at[sl_local], sem_l))
    outs = []
    for c in range(_CHUNKS):
        sl_local = pl.ds(c * rc, rc)
        sl_glob = pl.ds(base + c * rc, rc)
        cms[c].wait()
        outs.append(pltpu.async_copy(mean_v.at[sl_local],
                                     selm_hbm.at[sl_glob], sem_o))
        cls[c].wait()
        outs.append(pltpu.async_copy(lv_v.at[sl_local],
                                     sellv_hbm.at[sl_glob], sem_o))
    for o in outs:
        o.wait()


def kernel(z_means, z_log_vars, z_pis):
    b, k, d = z_means.shape
    b_per_w = b // _NW

    ridx = pl.pallas_call(
        _sample_body,
        grid=(4,),
        in_specs=[pl.BlockSpec((k, b // 4), lambda i: (0, i))],
        out_specs=pl.BlockSpec((_NW // 4, b // _NW), lambda i: (i, 0)),
        out_shape=jax.ShapeDtypeStruct((_NW, b // _NW), jnp.int32),
    )(z_pis.T)

    eps = pl.pallas_call(
        _eps_body,
        grid=(4,),
        out_specs=pl.BlockSpec((b // 4, d), lambda i: (i, 0)),
        out_shape=jax.ShapeDtypeStruct((b, d), jnp.float32),
    )()

    means2 = z_means.reshape(b * k, d)
    lvs2 = z_log_vars.reshape(b * k, d)

    sc_kernel = pl.kernel(
        functools.partial(_sc_body, b_per_w=b_per_w),
        out_type=(
            jax.ShapeDtypeStruct((b, d), jnp.float32),
            jax.ShapeDtypeStruct((b, d), jnp.float32),
        ),
        mesh=plsc.VectorSubcoreMesh(core_axis_name="c", subcore_axis_name="s"),
        scratch_types=[
            pltpu.VMEM((b_per_w,), jnp.int32),
            pltpu.VMEM((b_per_w, d), jnp.float32),
            pltpu.VMEM((b_per_w, d), jnp.float32),
            pltpu.SemaphoreType.DMA,
            pltpu.SemaphoreType.DMA,
            pltpu.SemaphoreType.DMA,
        ],
    )
    selm, sellv = sc_kernel(means2, lvs2, ridx)

    return pl.pallas_call(
        _fma_body,
        out_shape=jax.ShapeDtypeStruct((b, d), jnp.float32),
    )(selm, sellv, eps)

# --- scband reference (transcript-rebuilt; emitter-appended) ---
"""Pipeline reference for scband-sampling-mo-g-32787780338398 (READ-ONLY COPY).

The authoritative reference and input builder live on the scoring server;
editing this copy changes nothing except your own understanding.
"""

import jax, jax.numpy as jnp
import numpy as np


def setup_inputs(seed: int = 0) -> dict:
    key = jax.random.key(seed)
    k1, k2, k3 = jax.random.split(key, 3)
    B, K, D = 4096, 64, 128
    return {
        "z_means": jax.random.normal(k1, (B, K, D), dtype=jnp.float32),
        "z_log_vars": jax.random.normal(k2, (B, K, D), dtype=jnp.float32) * 0.5,
        "z_pis": jax.random.normal(k3, (B, K), dtype=jnp.float32),
    }


def reference(z_means, z_log_vars, z_pis):
    B = z_means.shape[0]
    D = z_means.shape[2]
    # softmax over mixture components, then log for categorical sampling
    pis = jax.nn.softmax(z_pis, axis=-1)
    log_pis = jnp.log(pis)
    # tf.random.categorical -> jax.random.categorical (one sample per row)
    idx = jax.random.categorical(jax.random.key(42), log_pis, axis=-1)  # int32[B]
    # tf.gather(..., batch_dims=1) -> take_along_axis on component axis
    sel_means = jnp.take_along_axis(z_means, idx[:, None, None].astype(jnp.int32), axis=1)[:, 0, :]
    sel_log_vars = jnp.take_along_axis(z_log_vars, idx[:, None, None].astype(jnp.int32), axis=1)[:, 0, :]
    epsilon = jax.random.normal(jax.random.key(43), (B, D), dtype=jnp.float32)
    z = sel_means + jnp.exp(0.5 * sel_log_vars) * epsilon
    return z

if __name__ == "__main__":
    import jax
    _d = setup_inputs()
    print(jax.jit(kernel)(*tuple(_d.values())))

</pallas_src>

<mosaic_0001>
#map = affine_map<(d0, d1) -> (0, 0)>
module attributes {stable_mosaic.version = 14 : i64} {
  func.func @_sc_body(%arg0: i32, %arg1: i32, %arg2: memref<262144x128xf32, #tpu.memory_space<hbm>>, %arg3: memref<262144x128xf32, #tpu.memory_space<hbm>>, %arg4: memref<32x128xi32, #tpu.memory_space<hbm>>, %arg5: memref<4096x128xf32, #tpu.memory_space<hbm>>, %arg6: memref<4096x128xf32, #tpu.memory_space<hbm>>, %arg7: memref<128xi32, #tpu.memory_space<vmem>>, %arg8: memref<128x128xf32, #tpu.memory_space<vmem>>, %arg9: memref<128x128xf32, #tpu.memory_space<vmem>>, %arg10: memref<!tpu.dma_semaphore, #tpu.memory_space<semaphore_mem>>, %arg11: memref<!tpu.dma_semaphore, #tpu.memory_space<semaphore_mem>>, %arg12: memref<!tpu.dma_semaphore, #tpu.memory_space<semaphore_mem>>) attributes {dimension_semantics = [#tpu.dimension_semantics<core_parallel>, #tpu.dimension_semantics<subcore_parallel>], iteration_bounds = array<i64: 2, 16>, scalar_prefetch = 0 : i64, scratch_operands = 6 : i64, tpu.core_type = #tpu.core_type<sc_vector_subcore>, window_params = [{transform_indices = #map}, {transform_indices = #map}, {transform_indices = #map}, {transform_indices = #map}, {transform_indices = #map}]} {
    %mul3A = arith.constant 2 : i32
    %mul3A_0 = arith.muli %arg1, %mul3A : i32
    %add3A = arith.addi %mul3A_0, %arg0 : i32
    %mul3A_1 = arith.constant 128 : i32
    %mul3A_2 = arith.muli %add3A, %mul3A_1 : i32
    "tpu.region"() ({
      %run_scoped3A = tpu.sem_alloc : memref<!tpu.dma_semaphore, #tpu.memory_space<semaphore_mem>>
      %dma_start3A_75 = arith.constant 0 : i32
      %dma_start3A_76 = tpu.memref_slice %arg4[%add3A, %dma_start3A_75] : memref<32x128xi32, #tpu.memory_space<hbm>> -> memref<1x128xi32, #tpu.memory_space<hbm>>
      %dma_start3A_77 = tpu.memref_squeeze %dma_start3A_76 : memref<1x128xi32, #tpu.memory_space<hbm>> -> memref<128xi32, #tpu.memory_space<hbm>>
      %dma_start3A_78 = arith.constant 0 : i32
      %dma_start3A_79 = tpu.memref_slice %arg4[%add3A, %dma_start3A_78] : memref<32x128xi32, #tpu.memory_space<hbm>> -> memref<1x128xi32, #tpu.memory_space<hbm>>
      %dma_start3A_80 = tpu.memref_squeeze %dma_start3A_79 : memref<1x128xi32, #tpu.memory_space<hbm>> -> memref<128xi32, #tpu.memory_space<hbm>>
      tpu.enqueue_dma source(%dma_start3A_80 : memref<128xi32, #tpu.memory_space<hbm>>) target(%arg7 : memref<128xi32, #tpu.memory_space<vmem>>) target_semaphore(%run_scoped3A : memref<!tpu.dma_semaphore, #tpu.memory_space<semaphore_mem>>)
      %dma_wait3A_81 = arith.constant 0 : i32
      %dma_wait3A_82 = tpu.memref_slice %arg4[%add3A, %dma_wait3A_81] : memref<32x128xi32, #tpu.memory_space<hbm>> -> memref<1x128xi32, #tpu.memory_space<hbm>>
      %dma_wait3A_83 = tpu.memref_squeeze %dma_wait3A_82 : memref<1x128xi32, #tpu.memory_space<hbm>> -> memref<128xi32, #tpu.memory_space<hbm>>
      %dma_wait3A_84 = arith.constant 0 : i32
      %dma_wait3A_85 = tpu.memref_slice %arg4[%add3A, %dma_wait3A_84] : memref<32x128xi32, #tpu.memory_space<hbm>> -> memref<1x128xi32, #tpu.memory_space<hbm>>
      %dma_wait3A_86 = tpu.memref_squeeze %dma_wait3A_85 : memref<1x128xi32, #tpu.memory_space<hbm>> -> memref<128xi32, #tpu.memory_space<hbm>>
      tpu.wait_dma2 semaphore(%run_scoped3A : memref<!tpu.dma_semaphore, #tpu.memory_space<semaphore_mem>>) src(%dma_wait3A_86 : memref<128xi32, #tpu.memory_space<hbm>>) dst(%arg7 : memref<128xi32, #tpu.memory_space<vmem>>)
      tpu.yield
    }) : () -> ()
    %dma_start3A = arith.constant 0 : i32
    %dma_start3A_3 = arith.constant 0 : i32
    %dma_start3A_4 = tpu.memref_slice %arg8[%dma_start3A, %dma_start3A_3] : memref<128x128xf32, #tpu.memory_space<vmem>> -> memref<128x128xf32, #tpu.memory_space<vmem>>
    %dma_start3A_5 = arith.constant 0 : i32
    %dma_start3A_6 = tpu.memref_slice %arg7[%dma_start3A_5] : memref<128xi32, #tpu.memory_space<vmem>> -> memref<128xi32, #tpu.memory_space<vmem>>
    %dma_start3A_7 = arith.constant 0 : i32
    %dma_start3A_8 = arith.constant 0 : i32
    %dma_start3A_9 = tpu.memref_slice %arg2[%dma_start3A_7, %dma_start3A_8] : memref<262144x128xf32, #tpu.memory_space<hbm>> -> memref<262144x128xf32, #tpu.memory_space<hbm>>
    tpu.enqueue_indirect_dma source(%dma_start3A_9 : memref<262144x128xf32, #tpu.memory_space<hbm>>) target(%dma_start3A_4 : memref<128x128xf32, #tpu.memory_space<vmem>>) offsets(%dma_start3A_6 : memref<128xi32, #tpu.memory_space<vmem>>) semaphore(%arg10 : memref<!tpu.dma_semaphore, #tpu.memory_space<semaphore_mem>>)
    %dma_start3A_10 = arith.constant 0 : i32
    %dma_start3A_11 = arith.constant 0 : i32
    %dma_start3A_12 = tpu.memref_slice %arg9[%dma_start3A_10, %dma_start3A_11] : memref<128x128xf32, #tpu.memory_space<vmem>> -> memref<128x128xf32, #tpu.memory_space<vmem>>
    %dma_start3A_13 = arith.constant 0 : i32
    %dma_start3A_14 = tpu.memref_slice %arg7[%dma_start3A_13] : memref<128xi32, #tpu.memory_space<vmem>> -> memref<128xi32, #tpu.memory_space<vmem>>
    %dma_start3A_15 = arith.constant 0 : i32
    %dma_start3A_16 = arith.constant 0 : i32
    %dma_start3A_17 = tpu.memref_slice %arg3[%dma_start3A_15, %dma_start3A_16] : memref<262144x128xf32, #tpu.memory_space<hbm>> -> memref<262144x128xf32, #tpu.memory_space<hbm>>
    tpu.enqueue_indirect_dma source(%dma_start3A_17 : memref<262144x128xf32, #tpu.memory_space<hbm>>) target(%dma_start3A_12 : memref<128x128xf32, #tpu.memory_space<vmem>>) offsets(%dma_start3A_14 : memref<128xi32, #tpu.memory_space<vmem>>) semaphore(%arg11 : memref<!tpu.dma_semaphore, #tpu.memory_space<semaphore_mem>>)
    %add3A_18 = arith.constant 0 : i32
    %add3A_19 = arith.addi %mul3A_2, %add3A_18 : i32
    %dma_wait3A = arith.constant 0 : i32
    %dma_wait3A_20 = arith.constant 0 : i32
    %dma_wait3A_21 = tpu.memref_slice %arg8[%dma_wait3A, %dma_wait3A_20] : memref<128x128xf32, #tpu.memory_space<vmem>> -> memref<128x128xf32, #tpu.memory_space<vmem>>
    %dma_wait3A_22 = arith.constant 0 : i32
    %dma_wait3A_23 = tpu.memref_slice %arg7[%dma_wait3A_22] : memref<128xi32, #tpu.memory_space<vmem>> -> memref<128xi32, #tpu.memory_space<vmem>>
    %dma_wait3A_24 = arith.constant 0 : i32
    %dma_wait3A_25 = arith.constant 0 : i32
    %dma_wait3A_26 = tpu.memref_slice %arg2[%dma_wait3A_24, %dma_wait3A_25] : memref<262144x128xf32, #tpu.memory_space<hbm>> -> memref<262144x128xf32, #tpu.memory_space<hbm>>
    tpu.wait_indirect_dma semaphore(%arg10 : memref<!tpu.dma_semaphore, #tpu.memory_space<semaphore_mem>>) src(%dma_wait3A_26 : memref<262144x128xf32, #tpu.memory_space<hbm>>) dst(%dma_wait3A_21 : memref<128x128xf32, #tpu.memory_space<vmem>>)
    %dma_start3A_27 = arith.constant 0 : i32
    %dma_start3A_28 = arith.constant 0 : i32
    %dma_start3A_29 = tpu.memref_slice %arg8[%dma_start3A_27, %dma_start3A_28] : memref<128x128xf32, #tpu.memory_space<vmem>> -> memref<128x128xf32, #tpu.memory_space<vmem>>
    %dma_start3A_30 = arith.constant 0 : i32
    %dma_start3A_31 = tpu.memref_slice %arg5[%add3A_19, %dma_start3A_30] : memref<4096x128xf32, #tpu.memory_space<hbm>> -> memref<128x128xf32, #tpu.memory_space<hbm>>
    %dma_start3A_32 = arith.constant 0 : i32
    %dma_start3A_33 = tpu.memref_slice %arg5[%add3A_19, %dma_start3A_32] : memref<4096x128xf32, #tpu.memory_space<hbm>> -> memref<128x128xf32, #tpu.memory_space<hbm>>
    %dma_start3A_34 = arith.constant 0 : i32
    %dma_start3A_35 = arith.constant 0 : i32
    %dma_start3A_36 = tpu.memref_slice %arg8[%dma_start3A_34, %dma_start3A_35] : memref<128x128xf32, #tpu.memory_space<vmem>> -> memref<128x128xf32, #tpu.memory_space<vmem>>
    tpu.enqueue_dma source(%dma_start3A_36 : memref<128x128xf32, #tpu.memory_space<vmem>>) target(%dma_start3A_33 : memref<128x128xf32, #tpu.memory_space<hbm>>) target_semaphore(%arg12 : memref<!tpu.dma_semaphore, #tpu.memory_space<semaphore_mem>>)
    %dma_wait3A_37 = arith.constant 0 : i32
    %dma_wait3A_38 = arith.constant 0 : i32
    %dma_wait3A_39 = tpu.memref_slice %arg9[%dma_wait3A_37, %dma_wait3A_38] : memref<128x128xf32, #tpu.memory_space<vmem>> -> memref<128x128xf32, #tpu.memory_space<vmem>>
    %dma_wait3A_40 = arith.constant 0 : i32
    %dma_wait3A_41 = tpu.memref_slice %arg7[%dma_wait3A_40] : memref<128xi32, #tpu.memory_space<vmem>> -> memref<128xi32, #tpu.memory_space<vmem>>
    %dma_wait3A_42 = arith.constant 0 : i32
    %dma_wait3A_43 = arith.constant 0 : i32
    %dma_wait3A_44 = tpu.memref_slice %arg3[%dma_wait3A_42, %dma_wait3A_43] : memref<262144x128xf32, #tpu.memory_space<hbm>> -> memref<262144x128xf32, #tpu.memory_space<hbm>>
    tpu.wait_indirect_dma semaphore(%arg11 : memref<!tpu.dma_semaphore, #tpu.memory_space<semaphore_mem>>) src(%dma_wait3A_44 : memref<262144x128xf32, #tpu.memory_space<hbm>>) dst(%dma_wait3A_39 : memref<128x128xf32, #tpu.memory_space<vmem>>)
    %dma_start3A_45 = arith.constant 0 : i32
    %dma_start3A_46 = arith.constant 0 : i32
    %dma_start3A_47 = tpu.memref_slice %arg9[%dma_start3A_45, %dma_start3A_46] : memref<128x128xf32, #tpu.memory_space<vmem>> -> memref<128x128xf32, #tpu.memory_space<vmem>>
    %dma_start3A_48 = arith.constant 0 : i32
    %dma_start3A_49 = tpu.memref_slice %arg6[%add3A_19, %dma_start3A_48] : memref<4096x128xf32, #tpu.memory_space<hbm>> -> memref<128x128xf32, #tpu.memory_space<hbm>>
    %dma_start3A_50 = arith.constant 0 : i32
    %dma_start3A_51 = tpu.memref_slice %arg6[%add3A_19, %dma_start3A_50] : memref<4096x128xf32, #tpu.memory_space<hbm>> -> memref<128x128xf32, #tpu.memory_space<hbm>>
    %dma_start3A_52 = arith.constant 0 : i32
    %dma_start3A_53 = arith.constant 0 : i32
    %dma_start3A_54 = tpu.memref_slice %arg9[%dma_start3A_52, %dma_start3A_53] : memref<128x128xf32, #tpu.memory_space<vmem>> -> memref<128x128xf32, #tpu.memory_space<vmem>>
    tpu.enqueue_dma source(%dma_start3A_54 : memref<128x128xf32, #tpu.memory_space<vmem>>) target(%dma_start3A_51 : memref<128x128xf32, #tpu.memory_space<hbm>>) target_semaphore(%arg12 : memref<!tpu.dma_semaphore, #tpu.memory_space<semaphore_mem>>)
    %dma_wait3A_55 = arith.constant 0 : i32
    %dma_wait3A_56 = arith.constant 0 : i32
    %dma_wait3A_57 = tpu.memref_slice %arg8[%dma_wait3A_55, %dma_wait3A_56] : memref<128x128xf32, #tpu.memory_space<vmem>> -> memref<128x128xf32, #tpu.memory_space<vmem>>
    %dma_wait3A_58 = arith.constant 0 : i32
    %dma_wait3A_59 = tpu.memref_slice %arg5[%add3A_19, %dma_wait3A_58] : memref<4096x128xf32, #tpu.memory_space<hbm>> -> memref<128x128xf32, #tpu.memory_space<hbm>>
    %dma_wait3A_60 = arith.constant 0 : i32
    %dma_wait3A_61 = tpu.memref_slice %arg5[%add3A_19, %dma_wait3A_60] : memref<4096x128xf32, #tpu.memory_space<hbm>> -> memref<128x128xf32, #tpu.memory_space<hbm>>
    %dma_wait3A_62 = arith.constant 0 : i32
    %dma_wait3A_63 = arith.constant 0 : i32
    %dma_wait3A_64 = tpu.memref_slice %arg8[%dma_wait3A_62, %dma_wait3A_63] : memref<128x128xf32, #tpu.memory_space<vmem>> -> memref<128x128xf32, #tpu.memory_space<vmem>>
    tpu.wait_dma2 semaphore(%arg12 : memref<!tpu.dma_semaphore, #tpu.memory_space<semaphore_mem>>) src(%dma_wait3A_64 : memref<128x128xf32, #tpu.memory_space<vmem>>) dst(%dma_wait3A_61 : memref<128x128xf32, #tpu.memory_space<hbm>>)
    %dma_wait3A_65 = arith.constant 0 : i32
    %dma_wait3A_66 = arith.constant 0 : i32
    %dma_wait3A_67 = tpu.memref_slice %arg9[%dma_wait3A_65, %dma_wait3A_66] : memref<128x128xf32, #tpu.memory_space<vmem>> -> memref<128x128xf32, #tpu.memory_space<vmem>>
    %dma_wait3A_68 = arith.constant 0 : i32
    %dma_wait3A_69 = tpu.memref_slice %arg6[%add3A_19, %dma_wait3A_68] : memref<4096x128xf32, #tpu.memory_space<hbm>> -> memref<128x128xf32, #tpu.memory_space<hbm>>
    %dma_wait3A_70 = arith.constant 0 : i32
    %dma_wait3A_71 = tpu.memref_slice %arg6[%add3A_19, %dma_wait3A_70] : memref<4096x128xf32, #tpu.memory_space<hbm>> -> memref<128x128xf32, #tpu.memory_space<hbm>>
    %dma_wait3A_72 = arith.constant 0 : i32
    %dma_wait3A_73 = arith.constant 0 : i32
    %dma_wait3A_74 = tpu.memref_slice %arg9[%dma_wait3A_72, %dma_wait3A_73] : memref<128x128xf32, #tpu.memory_space<vmem>> -> memref<128x128xf32, #tpu.memory_space<vmem>>
    tpu.wait_dma2 semaphore(%arg12 : memref<!tpu.dma_semaphore, #tpu.memory_space<semaphore_mem>>) src(%dma_wait3A_74 : memref<128x128xf32, #tpu.memory_space<vmem>>) dst(%dma_wait3A_71 : memref<128x128xf32, #tpu.memory_space<hbm>>)
    return
  }
}

module attributes {stable_mosaic.version = 14 : i64} {
  func.func @_fma_body(%arg0: memref<4096x128xf32, #tpu.memory_space<vmem>>, %arg1: memref<4096x128xf32, #tpu.memory_space<vmem>>, %arg2: memref<4096x128xf32, #tpu.memory_space<vmem>>, %arg3: memref<4096x128xf32, #tpu.memory_space<vmem>>) attributes {dimension_semantics = [], scalar_prefetch = 0 : i64, scratch_operands = 0 : i64, tpu.core_type = #tpu.core_type<tc>} {
    %get3A = arith.constant 0 : index
    %get3A_0 = arith.constant 0 : index
    %get3A_1 = vector.load %arg0[%get3A, %get3A_0] : memref<4096x128xf32, #tpu.memory_space<vmem>>, vector<4096x128xf32>
    %get3A_2 = arith.constant 0 : index
    %get3A_3 = arith.constant 0 : index
    %get3A_4 = vector.load %arg1[%get3A_2, %get3A_3] : memref<4096x128xf32, #tpu.memory_space<vmem>>, vector<4096x128xf32>
    %mul3A = arith.constant 5.000000e-01 : f32
    %mul3A_5 = vector.broadcast %mul3A : f32 to vector<4096x128xf32>
    %mul3A_6 = arith.mulf %mul3A_5, %get3A_4 : vector<4096x128xf32>
    %exp3A = math.exp %mul3A_6 : vector<4096x128xf32>
    %get3A_7 = arith.constant 0 : index
    %get3A_8 = arith.constant 0 : index
    %get3A_9 = vector.load %arg2[%get3A_7, %get3A_8] : memref<4096x128xf32, #tpu.memory_space<vmem>>, vector<4096x128xf32>
    %mul3A_10 = arith.mulf %exp3A, %get3A_9 : vector<4096x128xf32>
    %add3A = arith.addf %get3A_1, %mul3A_10 : vector<4096x128xf32>
    %swap3A = arith.constant 0 : index
    %swap3A_11 = arith.constant 0 : index
    %swap3A_12 = vector.load %arg3[%swap3A, %swap3A_11] : memref<4096x128xf32, #tpu.memory_space<vmem>>, vector<4096x128xf32>
    tpu.vector_store %arg3[%swap3A, %swap3A_11], %add3A {strides = array<i32>} : memref<4096x128xf32, #tpu.memory_space<vmem>>, vector<4096x128xf32>,
    return
  }
}

module attributes {stable_mosaic.version = 14 : i64} {
  func.func @_eps_body(%arg0: i32, %arg1: memref<1024x128xf32, #tpu.memory_space<vmem>>) attributes {dimension_semantics = [#tpu.dimension_semantics<arbitrary>], iteration_bounds = array<i64: 4>, scalar_prefetch = 0 : i64, scratch_operands = 0 : i64, tpu.core_type = #tpu.core_type<tc>, window_params = [{transform_indices = @transform_0, window_bounds = array<i64: 1024, 128>}]} {
    %mul3A = arith.constant 1024 : i32
    %mul3A_0 = arith.muli %arg0, %mul3A : i32
    %iota3A = tpu.iota {dimensions = array<i32: 0>} : vector<1024x128xi32>
    %iota3A_1 = tpu.iota {dimensions = array<i32: 1>} : vector<1024x128xi32>
    %mul3A_2 = arith.constant 128 : i32
    %mul3A_3 = vector.broadcast %mul3A_2 : i32 to vector<1024x128xi32>
    %mul3A_4 = arith.muli %iota3A, %mul3A_3 : vector<1024x128xi32>
    %add3A = arith.addi %mul3A_4, %iota3A_1 : vector<1024x128xi32>
    %mul3A_5 = arith.constant 128 : i32
    %mul3A_6 = arith.muli %mul3A_0, %mul3A_5 : i32
    %add3A_7 = vector.broadcast %mul3A_6 : i32 to vector<1024x128xi32>
    %add3A_8 = arith.addi %add3A, %add3A_7 : vector<1024x128xi32>
    %broadcast_in_dim3A = arith.constant 0 : i32
    %broadcast_in_dim3A_9 = vector.broadcast %broadcast_in_dim3A : i32 to vector<1024x128xi32>
    %add3A_10 = arith.constant 43 : i32
    %add3A_11 = vector.broadcast %add3A_10 : i32 to vector<1024x128xi32>
    %add3A_12 = arith.addi %add3A_8, %add3A_11 : vector<1024x128xi32>
    %add3A_13 = arith.addi %broadcast_in_dim3A_9, %add3A_12 : vector<1024x128xi32>
    %shift_left3A = arith.constant 13 : i32
    %shift_left3A_14 = vector.broadcast %shift_left3A : i32 to vector<1024x128xi32>
    %shift_left3A_15 = arith.shli %add3A_12, %shift_left3A_14 : vector<1024x128xi32>
    %shift_right_logical3A = arith.constant 19 : i32
    %shift_right_logical3A_16 = vector.broadcast %shift_right_logical3A : i32 to vector<1024x128xi32>
    %shift_right_logical3A_17 = arith.shrui %add3A_12, %shift_right_logical3A_16 : vector<1024x128xi32>
    %or3A = arith.ori %shift_left3A_15, %shift_right_logical3A_17 : vector<1024x128xi32>
    %xor3A = arith.xori %add3A_13, %or3A : vector<1024x128xi32>
    %add3A_18 = arith.addi %add3A_13, %xor3A : vector<1024x128xi32>
    %shift_left3A_19 = arith.constant 15 : i32
    %shift_left3A_20 = vector.broadcast %shift_left3A_19 : i32 to vector<1024x128xi32>
    %shift_left3A_21 = arith.shli %xor3A, %shift_left3A_20 : vector<1024x128xi32>
    %shift_right_logical3A_22 = arith.constant 17 : i32
    %shift_right_logical3A_23 = vector.broadcast %shift_right_logical3A_22 : i32 to vector<1024x128xi32>
    %shift_right_logical3A_24 = arith.shrui %xor3A, %shift_right_logical3A_23 : vector<1024x128xi32>
    %or3A_25 = arith.ori %shift_left3A_21, %shift_right_logical3A_24 : vector<1024x128xi32>
    %xor3A_26 = arith.xori %add3A_18, %or3A_25 : vector<1024x128xi32>
    %add3A_27 = arith.addi %add3A_18, %xor3A_26 : vector<1024x128xi32>
    %shift_left3A_28 = arith.constant 26 : i32
    %shift_left3A_29 = vector.broadcast %shift_left3A_28 : i32 to vector<1024x128xi32>
    %shift_left3A_30 = arith.shli %xor3A_26, %shift_left3A_29 : vector<1024x128xi32>
    %shift_right_logical3A_31 = arith.constant 6 : i32
    %shift_right_logical3A_32 = vector.broadcast %shift_right_logical3A_31 : i32 to vector<1024x128xi32>
    %shift_right_logical3A_33 = arith.shrui %xor3A_26, %shift_right_logical3A_32 : vector<1024x128xi32>
    %or3A_34 = arith.ori %shift_left3A_30, %shift_right_logical3A_33 : vector<1024x128xi32>
    %xor3A_35 = arith.xori %add3A_27, %or3A_34 : vector<1024x128xi32>
    %add3A_36 = arith.addi %add3A_27, %xor3A_35 : vector<1024x128xi32>
    %shift_left3A_37 = arith.constant 6 : i32
    %shift_left3A_38 = vector.broadcast %shift_left3A_37 : i32 to vector<1024x128xi32>
    %shift_left3A_39 = arith.shli %xor3A_35, %shift_left3A_38 : vector<1024x128xi32>
    %shift_right_logical3A_40 = arith.constant 26 : i32
    %shift_right_logical3A_41 = vector.broadcast %shift_right_logical3A_40 : i32 to vector<1024x128xi32>
    %shift_right_logical3A_42 = arith.shrui %xor3A_35, %shift_right_logical3A_41 : vector<1024x128xi32>
    %or3A_43 = arith.ori %shift_left3A_39, %shift_right_logical3A_42 : vector<1024x128xi32>
    %xor3A_44 = arith.xori %add3A_36, %or3A_43 : vector<1024x128xi32>
    %add3A_45 = arith.constant 43 : i32
    %add3A_46 = vector.broadcast %add3A_45 : i32 to vector<1024x128xi32>
    %add3A_47 = arith.addi %add3A_36, %add3A_46 : vector<1024x128xi32>
    %add3A_48 = arith.constant 466689010 : i32
    %add3A_49 = vector.broadcast %add3A_48 : i32 to vector<1024x128xi32>
    %add3A_50 = arith.addi %xor3A_44, %add3A_49 : vector<1024x128xi32>
    %add3A_51 = arith.addi %add3A_47, %add3A_50 : vector<1024x128xi32>
    %shift_left3A_52 = arith.constant 17 : i32
    %shift_left3A_53 = vector.broadcast %shift_left3A_52 : i32 to vector<1024x128xi32>
    %shift_left3A_54 = arith.shli %add3A_50, %shift_left3A_53 : vector<1024x128xi32>
    %shift_right_logical3A_55 = arith.constant 15 : i32
    %shift_right_logical3A_56 = vector.broadcast %shift_right_logical3A_55 : i32 to vector<1024x128xi32>
    %shift_right_logical3A_57 = arith.shrui %add3A_50, %shift_right_logical3A_56 : vector<1024x128xi32>
    %or3A_58 = arith.ori %shift_left3A_54, %shift_right_logical3A_57 : vector<1024x128xi32>
    %xor3A_59 = arith.xori %add3A_51, %or3A_58 : vector<1024x128xi32>
    %add3A_60 = arith.addi %add3A_51, %xor3A_59 : vector<1024x128xi32>
    %shift_left3A_61 = arith.constant 29 : i32
    %shift_left3A_62 = vector.broadcast %shift_left3A_61 : i32 to vector<1024x128xi32>
    %shift_left3A_63 = arith.shli %xor3A_59, %shift_left3A_62 : vector<1024x128xi32>
    %shift_right_logical3A_64 = arith.constant 3 : i32
    %shift_right_logical3A_65 = vector.broadcast %shift_right_logical3A_64 : i32 to vector<1024x128xi32>
    %shift_right_logical3A_66 = arith.shrui %xor3A_59, %shift_right_logical3A_65 : vector<1024x128xi32>
    %or3A_67 = arith.ori %shift_left3A_63, %shift_right_logical3A_66 : vector<1024x128xi32>
    %xor3A_68 = arith.xori %add3A_60, %or3A_67 : vector<1024x128xi32>
    %add3A_69 = arith.addi %add3A_60, %xor3A_68 : vector<1024x128xi32>
    %shift_left3A_70 = arith.constant 16 : i32
    %shift_left3A_71 = vector.broadcast %shift_left3A_70 : i32 to vector<1024x128xi32>
    %shift_left3A_72 = arith.shli %xor3A_68, %shift_left3A_71 : vector<1024x128xi32>
    %shift_right_logical3A_73 = arith.constant 16 : i32
    %shift_right_logical3A_74 = vector.broadcast %shift_right_logical3A_73 : i32 to vector<1024x128xi32>
    %shift_right_logical3A_75 = arith.shrui %xor3A_68, %shift_right_logical3A_74 : vector<1024x128xi32>
    %or3A_76 = arith.ori %shift_left3A_72, %shift_right_logical3A_75 : vector<1024x128xi32>
    %xor3A_77 = arith.xori %add3A_69, %or3A_76 : vector<1024x128xi32>
    %add3A_78 = arith.addi %add3A_69, %xor3A_77 : vector<1024x128xi32>
    %shift_left3A_79 = arith.constant 24 : i32
    %shift_left3A_80 = vector.broadcast %shift_left3A_79 : i32 to vector<1024x128xi32>
    %shift_left3A_81 = arith.shli %xor3A_77, %shift_left3A_80 : vector<1024x128xi32>
    %shift_right_logical3A_82 = arith.constant 8 : i32
    %shift_right_logical3A_83 = vector.broadcast %shift_right_logical3A_82 : i32 to vector<1024x128xi32>
    %shift_right_logical3A_84 = arith.shrui %xor3A_77, %shift_right_logical3A_83 : vector<1024x128xi32>
    %or3A_85 = arith.ori %shift_left3A_81, %shift_right_logical3A_84 : vector<1024x128xi32>
    %xor3A_86 = arith.xori %add3A_78, %or3A_85 : vector<1024x128xi32>
    %add3A_87 = arith.constant 466689009 : i32
    %add3A_88 = vector.broadcast %add3A_87 : i32 to vector<1024x128xi32>
    %add3A_89 = arith.addi %add3A_78, %add3A_88 : vector<1024x128xi32>
    %add3A_90 = arith.constant 2 : i32
    %add3A_91 = vector.broadcast %add3A_90 : i32 to vector<1024x128xi32>
    %add3A_92 = arith.addi %xor3A_86, %add3A_91 : vector<1024x128xi32>
    %add3A_93 = arith.addi %add3A_89, %add3A_92 : vector<1024x128xi32>
    %shift_left3A_94 = arith.constant 13 : i32
    %shift_left3A_95 = vector.broadcast %shift_left3A_94 : i32 to vector<1024x128xi32>
    %shift_left3A_96 = arith.shli %add3A_92, %shift_left3A_95 : vector<1024x128xi32>
    %shift_right_logical3A_97 = arith.constant 19 : i32
    %shift_right_logical3A_98 = vector.broadcast %shift_right_logical3A_97 : i32 to vector<1024x128xi32>
    %shift_right_logical3A_99 = arith.shrui %add3A_92, %shift_right_logical3A_98 : vector<1024x128xi32>
    %or3A_100 = arith.ori %shift_left3A_96, %shift_right_logical3A_99 : vector<1024x128xi32>
    %xor3A_101 = arith.xori %add3A_93, %or3A_100 : vector<1024x128xi32>
    %add3A_102 = arith.addi %add3A_93, %xor3A_101 : vector<1024x128xi32>
    %shift_left3A_103 = arith.constant 15 : i32
    %shift_left3A_104 = vector.broadcast %shift_left3A_103 : i32 to vector<1024x128xi32>
    %shift_left3A_105 = arith.shli %xor3A_101, %shift_left3A_104 : vector<1024x128xi32>
    %shift_right_logical3A_106 = arith.constant 17 : i32
    %shift_right_logical3A_107 = vector.broadcast %shift_right_logical3A_106 : i32 to vector<1024x128xi32>
    %shift_right_logical3A_108 = arith.shrui %xor3A_101, %shift_right_logical3A_107 : vector<1024x128xi32>
    %or3A_109 = arith.ori %shift_left3A_105, %shift_right_logical3A_108 : vector<1024x128xi32>
    %xor3A_110 = arith.xori %add3A_102, %or3A_109 : vector<1024x128xi32>
    %add3A_111 = arith.addi %add3A_102, %xor3A_110 : vector<1024x128xi32>
    %shift_left3A_112 = arith.constant 26 : i32
    %shift_left3A_113 = vector.broadcast %shift_left3A_112 : i32 to vector<1024x128xi32>
    %shift_left3A_114 = arith.shli %xor3A_110, %shift_left3A_113 : vector<1024x128xi32>
    %shift_right_logical3A_115 = arith.constant 6 : i32
    %shift_right_logical3A_116 = vector.broadcast %shift_right_logical3A_115 : i32 to vector<1024x128xi32>
    %shift_right_logical3A_117 = arith.shrui %xor3A_110, %shift_right_logical3A_116 : vector<1024x128xi32>
    %or3A_118 = arith.ori %shift_left3A_114, %shift_right_logical3A_117 : vector<1024x128xi32>
    %xor3A_119 = arith.xori %add3A_111, %or3A_118 : vector<1024x128xi32>
    %add3A_120 = arith.addi %add3A_111, %xor3A_119 : vector<1024x128xi32>
    %shift_left3A_121 = arith.constant 6 : i32
    %shift_left3A_122 = vector.broadcast %shift_left3A_121 : i32 to vector<1024x128xi32>
    %shift_left3A_123 = arith.shli %xor3A_119, %shift_left3A_122 : vector<1024x128xi32>
    %shift_right_logical3A_124 = arith.constant 26 : i32
    %shift_right_logical3A_125 = vector.broadcast %shift_right_logical3A_124 : i32 to vector<1024x128xi32>
    %shift_right_logical3A_126 = arith.shrui %xor3A_119, %shift_right_logical3A_125 : vector<1024x128xi32>
    %or3A_127 = arith.ori %shift_left3A_123, %shift_right_logical3A_126 : vector<1024x128xi32>
    %xor3A_128 = arith.xori %add3A_120, %or3A_127 : vector<1024x128xi32>
    %add3A_129 = arith.constant 46 : i32
    %add3A_130 = vector.broadcast %add3A_129 : i32 to vector<1024x128xi32>
    %add3A_131 = arith.addi %xor3A_128, %add3A_130 : vector<1024x128xi32>
    %add3A_132 = arith.addi %add3A_120, %add3A_131 : vector<1024x128xi32>
    %shift_left3A_133 = arith.constant 17 : i32
    %shift_left3A_134 = vector.broadcast %shift_left3A_133 : i32 to vector<1024x128xi32>
    %shift_left3A_135 = arith.shli %add3A_131, %shift_left3A_134 : vector<1024x128xi32>
    %shift_right_logical3A_136 = arith.constant 15 : i32
    %shift_right_logical3A_137 = vector.broadcast %shift_right_logical3A_136 : i32 to vector<1024x128xi32>
    %shift_right_logical3A_138 = arith.shrui %add3A_131, %shift_right_logical3A_137 : vector<1024x128xi32>
    %or3A_139 = arith.ori %shift_left3A_135, %shift_right_logical3A_138 : vector<1024x128xi32>
    %xor3A_140 = arith.xori %add3A_132, %or3A_139 : vector<1024x128xi32>
    %add3A_141 = arith.addi %add3A_132, %xor3A_140 : vector<1024x128xi32>
    %shift_left3A_142 = arith.constant 29 : i32
    %shift_left3A_143 = vector.broadcast %shift_left3A_142 : i32 to vector<1024x128xi32>
    %shift_left3A_144 = arith.shli %xor3A_140, %shift_left3A_143 : vector<1024x128xi32>
    %shift_right_logical3A_145 = arith.constant 3 : i32
    %shift_right_logical3A_146 = vector.broadcast %shift_right_logical3A_145 : i32 to vector<1024x128xi32>
    %shift_right_logical3A_147 = arith.shrui %xor3A_140, %shift_right_logical3A_146 : vector<1024x128xi32>
    %or3A_148 = arith.ori %shift_left3A_144, %shift_right_logical3A_147 : vector<1024x128xi32>
    %xor3A_149 = arith.xori %add3A_141, %or3A_148 : vector<1024x128xi32>
    %add3A_150 = arith.addi %add3A_141, %xor3A_149 : vector<1024x128xi32>
    %shift_left3A_151 = arith.constant 16 : i32
    %shift_left3A_152 = vector.broadcast %shift_left3A_151 : i32 to vector<1024x128xi32>
    %shift_left3A_153 = arith.shli %xor3A_149, %shift_left3A_152 : vector<1024x128xi32>
    %shift_right_logical3A_154 = arith.constant 16 : i32
    %shift_right_logical3A_155 = vector.broadcast %shift_right_logical3A_154 : i32 to vector<1024x128xi32>
    %shift_right_logical3A_156 = arith.shrui %xor3A_149, %shift_right_logical3A_155 : vector<1024x128xi32>
    %or3A_157 = arith.ori %shift_left3A_153, %shift_right_logical3A_156 : vector<1024x128xi32>
    %xor3A_158 = arith.xori %add3A_150, %or3A_157 : vector<1024x128xi32>
    %add3A_159 = arith.addi %add3A_150, %xor3A_158 : vector<1024x128xi32>
    %shift_left3A_160 = arith.constant 24 : i32
    %shift_left3A_161 = vector.broadcast %shift_left3A_160 : i32 to vector<1024x128xi32>
    %shift_left3A_162 = arith.shli %xor3A_158, %shift_left3A_161 : vector<1024x128xi32>
    %shift_right_logical3A_163 = arith.constant 8 : i32
    %shift_right_logical3A_164 = vector.broadcast %shift_right_logical3A_163 : i32 to vector<1024x128xi32>
    %shift_right_logical3A_165 = arith.shrui %xor3A_158, %shift_right_logical3A_164 : vector<1024x128xi32>
    %or3A_166 = arith.ori %shift_left3A_162, %shift_right_logical3A_165 : vector<1024x128xi32>
    %xor3A_167 = arith.xori %add3A_159, %or3A_166 : vector<1024x128xi32>
    %add3A_168 = arith.constant 43 : i32
    %add3A_169 = vector.broadcast %add3A_168 : i32 to vector<1024x128xi32>
    %add3A_170 = arith.addi %add3A_159, %add3A_169 : vector<1024x128xi32>
    %add3A_171 = arith.constant 466689013 : i32
    %add3A_172 = vector.broadcast %add3A_171 : i32 to vector<1024x128xi32>
    %add3A_173 = arith.addi %xor3A_167, %add3A_172 : vector<1024x128xi32>
    %add3A_174 = arith.addi %add3A_170, %add3A_173 : vector<1024x128xi32>
    %shift_left3A_175 = arith.constant 13 : i32
    %shift_left3A_176 = vector.broadcast %shift_left3A_175 : i32 to vector<1024x128xi32>
    %shift_left3A_177 = arith.shli %add3A_173, %shift_left3A_176 : vector<1024x128xi32>
    %shift_right_logical3A_178 = arith.constant 19 : i32
    %shift_right_logical3A_179 = vector.broadcast %shift_right_logical3A_178 : i32 to vector<1024x128xi32>
    %shift_right_logical3A_180 = arith.shrui %add3A_173, %shift_right_logical3A_179 : vector<1024x128xi32>
    %or3A_181 = arith.ori %shift_left3A_177, %shift_right_logical3A_180 : vector<1024x128xi32>
    %xor3A_182 = arith.xori %add3A_174, %or3A_181 : vector<1024x128xi32>
    %add3A_183 = arith.addi %add3A_174, %xor3A_182 : vector<1024x128xi32>
    %shift_left3A_184 = arith.constant 15 : i32
    %shift_left3A_185 = vector.broadcast %shift_left3A_184 : i32 to vector<1024x128xi32>
    %shift_left3A_186 = arith.shli %xor3A_182, %shift_left3A_185 : vector<1024x128xi32>
    %shift_right_logical3A_187 = arith.constant 17 : i32
    %shift_right_logical3A_188 = vector.broadcast %shift_right_logical3A_187 : i32 to vector<1024x128xi32>
    %shift_right_logical3A_189 = arith.shrui %xor3A_182, %shift_right_logical3A_188 : vector<1024x128xi32>
    %or3A_190 = arith.ori %shift_left3A_186, %shift_right_logical3A_189 : vector<1024x128xi32>
    %xor3A_191 = arith.xori %add3A_183, %or3A_190 : vector<1024x128xi32>
    %add3A_192 = arith.addi %add3A_183, %xor3A_191 : vector<1024x128xi32>
    %shift_left3A_193 = arith.constant 26 : i32
    %shift_left3A_194 = vector.broadcast %shift_left3A_193 : i32 to vector<1024x128xi32>
    %shift_left3A_195 = arith.shli %xor3A_191, %shift_left3A_194 : vector<1024x128xi32>
    %shift_right_logical3A_196 = arith.constant 6 : i32
    %shift_right_logical3A_197 = vector.broadcast %shift_right_logical3A_196 : i32 to vector<1024x128xi32>
    %shift_right_logical3A_198 = arith.shrui %xor3A_191, %shift_right_logical3A_197 : vector<1024x128xi32>
    %or3A_199 = arith.ori %shift_left3A_195, %shift_right_logical3A_198 : vector<1024x128xi32>
    %xor3A_200 = arith.xori %add3A_192, %or3A_199 : vector<1024x128xi32>
    %add3A_201 = arith.addi %add3A_192, %xor3A_200 : vector<1024x128xi32>
    %shift_left3A_202 = arith.constant 6 : i32
    %shift_left3A_203 = vector.broadcast %shift_left3A_202 : i32 to vector<1024x128xi32>
    %shift_left3A_204 = arith.shli %xor3A_200, %shift_left3A_203 : vector<1024x128xi32>
    %shift_right_logical3A_205 = arith.constant 26 : i32
    %shift_right_logical3A_206 = vector.broadcast %shift_right_logical3A_205 : i32 to vector<1024x128xi32>
    %shift_right_logical3A_207 = arith.shrui %xor3A_200, %shift_right_logical3A_206 : vector<1024x128xi32>
    %or3A_208 = arith.ori %shift_left3A_204, %shift_right_logical3A_207 : vector<1024x128xi32>
    %xor3A_209 = arith.xori %add3A_201, %or3A_208 : vector<1024x128xi32>
    %add3A_210 = arith.constant 466689009 : i32
    %add3A_211 = vector.broadcast %add3A_210 : i32 to vector<1024x128xi32>
    %add3A_212 = arith.addi %add3A_201, %add3A_211 : vector<1024x128xi32>
    %add3A_213 = arith.constant 5 : i32
    %add3A_214 = vector.broadcast %add3A_213 : i32 to vector<1024x128xi32>
    %add3A_215 = arith.addi %xor3A_209, %add3A_214 : vector<1024x128xi32>
    %xor3A_216 = arith.xori %add3A_212, %add3A_215 : vector<1024x128xi32>
    %shift_right_logical3A_217 = arith.constant 9 : i32
    %shift_right_logical3A_218 = vector.broadcast %shift_right_logical3A_217 : i32 to vector<1024x128xi32>
    %shift_right_logical3A_219 = arith.shrui %xor3A_216, %shift_right_logical3A_218 : vector<1024x128xi32>
    %or3A_220 = arith.constant 1065353216 : i32
    %or3A_221 = vector.broadcast %or3A_220 : i32 to vector<1024x128xi32>
    %or3A_222 = arith.ori %shift_right_logical3A_219, %or3A_221 : vector<1024x128xi32>
    %bitcast_convert_type3A = tpu.bitcast %or3A_222 : vector<1024x128xi32> -> vector<1024x128xf32>
    %sub3A = arith.constant 1.000000e+00 : f32
    %sub3A_223 = vector.broadcast %sub3A : f32 to vector<1024x128xf32>
    %sub3A_224 = arith.subf %bitcast_convert_type3A, %sub3A_223 : vector<1024x128xf32>
    %mul3A_225 = arith.constant 2.000000e+00 : f32
    %mul3A_226 = vector.broadcast %mul3A_225 : f32 to vector<1024x128xf32>
    %mul3A_227 = arith.mulf %sub3A_224, %mul3A_226 : vector<1024x128xf32>
    %add3A_228 = arith.constant -0.99999994 : f32
    %add3A_229 = vector.broadcast %add3A_228 : f32 to vector<1024x128xf32>
    %add3A_230 = arith.addf %mul3A_227, %add3A_229 : vector<1024x128xf32>
    %sub3A_231 = arith.constant 1.000000e+00 : f32
    %sub3A_232 = vector.broadcast %sub3A_231 : f32 to vector<1024x128xf32>
    %sub3A_233 = arith.subf %sub3A_232, %add3A_230 : vector<1024x128xf32>
    %add3A_234 = arith.constant 1.000000e+00 : f32
    %add3A_235 = vector.broadcast %add3A_234 : f32 to vector<1024x128xf32>
    %add3A_236 = arith.addf %add3A_235, %add3A_230 : vector<1024x128xf32>
    %mul3A_237 = arith.mulf %sub3A_233, %add3A_236 : vector<1024x128xf32>
    %log3A = math.log %mul3A_237 : vector<1024x128xf32>
    %neg3A = arith.constant 0.000000e+00 : f32
    %neg3A_238 = vector.broadcast %neg3A : f32 to vector<1024x128xf32>
    %neg3A_239 = arith.subf %neg3A_238, %log3A : vector<1024x128xf32>
    %mul3A_240 = arith.constant 2.68932519E-4 : f32
    %mul3A_241 = vector.broadcast %mul3A_240 : f32 to vector<1024x128xf32>
    %mul3A_242 = arith.mulf %mul3A_241, %neg3A_239 : vector<1024x128xf32>
    %add3A_243 = arith.constant -0.00448537292 : f32
    %add3A_244 = vector.broadcast %add3A_243 : f32 to vector<1024x128xf32>
    %add3A_245 = arith.addf %mul3A_242, %add3A_244 : vector<1024x128xf32>
    %mul3A_246 = arith.mulf %add3A_245, %neg3A_239 : vector<1024x128xf32>
    %add3A_247 = arith.constant 0.0177293327 : f32
    %add3A_248 = vector.broadcast %add3A_247 : f32 to vector<1024x128xf32>
    %add3A_249 = arith.addf %mul3A_246, %add3A_248 : vector<1024x128xf32>
    %mul3A_250 = arith.mulf %add3A_249, %neg3A_239 : vector<1024x128xf32>
    %add3A_251 = arith.constant 0.327470303 : f32
    %add3A_252 = vector.broadcast %add3A_251 : f32 to vector<1024x128xf32>
    %add3A_253 = arith.addf %mul3A_250, %add3A_252 : vector<1024x128xf32>
    %mul3A_254 = arith.mulf %add3A_253, %neg3A_239 : vector<1024x128xf32>
    %add3A_255 = arith.constant 1.25338399 : f32
    %add3A_256 = vector.broadcast %add3A_255 : f32 to vector<1024x128xf32>
    %add3A_257 = arith.addf %mul3A_254, %add3A_256 : vector<1024x128xf32>
    %sqrt3A = math.sqrt %neg3A_239 : vector<1024x128xf32>
    %mul3A_258 = arith.constant -0.0102551626 : f32
    %mul3A_259 = vector.broadcast %mul3A_258 : f32 to vector<1024x128xf32>
    %mul3A_260 = arith.mulf %mul3A_259, %sqrt3A : vector<1024x128xf32>
    %add3A_261 = arith.constant 0.110492811 : f32
    %add3A_262 = vector.broadcast %add3A_261 : f32 to vector<1024x128xf32>
    %add3A_263 = arith.addf %mul3A_260, %add3A_262 : vector<1024x128xf32>
    %mul3A_264 = arith.mulf %add3A_263, %sqrt3A : vector<1024x128xf32>
    %add3A_265 = arith.constant 1.02965033 : f32
    %add3A_266 = vector.broadcast %add3A_265 : f32 to vector<1024x128xf32>
    %add3A_267 = arith.addf %mul3A_264, %add3A_266 : vector<1024x128xf32>
    %mul3A_268 = arith.mulf %add3A_267, %sqrt3A : vector<1024x128xf32>
    %add3A_269 = arith.constant 0.199608162 : f32
    %add3A_270 = vector.broadcast %add3A_269 : f32 to vector<1024x128xf32>
    %add3A_271 = arith.addf %mul3A_268, %add3A_270 : vector<1024x128xf32>
    %lt3A = arith.constant 5.000000e+00 : f32
    %lt3A_272 = vector.broadcast %lt3A : f32 to vector<1024x128xf32>
    %lt3A_273 = arith.cmpf olt, %neg3A_239, %lt3A_272 : vector<1024x128xf32>
    %select_n3A = arith.select %lt3A_273, %add3A_257, %add3A_271 : vector<1024x128xi1>, vector<1024x128xf32>
    %mul3A_274 = arith.mulf %add3A_230, %select_n3A : vector<1024x128xf32>
    %swap3A = arith.constant 0 : index
    %swap3A_275 = arith.constant 0 : index
    %swap3A_276 = vector.load %arg1[%swap3A, %swap3A_275] : memref<1024x128xf32, #tpu.memory_space<vmem>>, vector<1024x128xf32>
    tpu.vector_store %arg1[%swap3A, %swap3A_275], %mul3A_274 {strides = array<i32>} : memref<1024x128xf32, #tpu.memory_space<vmem>>, vector<1024x128xf32>,
    return
  }
  func.func @transform_0(%arg0: i32) -> (i32, i32) {
    %c0_i32 = arith.constant 0 : i32
    %c0_i32_0 = arith.constant 0 : i32
    return %arg0, %c0_i32 : i32, i32
  }
}

module attributes {stable_mosaic.version = 14 : i64} {
  func.func @_sample_body(%arg0: i32, %arg1: memref<64x1024xf32, #tpu.memory_space<vmem>>, %arg2: memref<8x128xi32, #tpu.memory_space<vmem>>) attributes {dimension_semantics = [#tpu.dimension_semantics<arbitrary>], iteration_bounds = array<i64: 4>, scalar_prefetch = 0 : i64, scratch_operands = 0 : i64, tpu.core_type = #tpu.core_type<tc>, window_params = [{transform_indices = @transform_0, window_bounds = array<i64: 64, 1024>}, {transform_indices = @transform_1, window_bounds = array<i64: 8, 128>}]} {
    %get3A = arith.constant 0 : index
    %get3A_0 = arith.constant 0 : index
    %get3A_1 = vector.load %arg1[%get3A, %get3A_0] : memref<64x1024xf32, #tpu.memory_space<vmem>>, vector<64x1024xf32>
    %mul3A = arith.constant 1024 : i32
    %mul3A_2 = arith.muli %arg0, %mul3A : i32
    %iota3A = tpu.iota {dimensions = array<i32: 0>} : vector<64x1024xi32>
    %iota3A_3 = tpu.iota {dimensions = array<i32: 1>} : vector<64x1024xi32>
    %add3A = vector.broadcast %mul3A_2 : i32 to vector<64x1024xi32>
    %add3A_4 = arith.addi %iota3A_3, %add3A : vector<64x1024xi32>
    %mul3A_5 = arith.constant 64 : i32
    %mul3A_6 = vector.broadcast %mul3A_5 : i32 to vector<64x1024xi32>
    %mul3A_7 = arith.muli %add3A_4, %mul3A_6 : vector<64x1024xi32>
    %add3A_8 = arith.addi %mul3A_7, %iota3A : vector<64x1024xi32>
    %broadcast_in_dim3A = arith.constant 0 : i32
    %broadcast_in_dim3A_9 = vector.broadcast %broadcast_in_dim3A : i32 to vector<64x1024xi32>
    %add3A_10 = arith.constant 42 : i32
    %add3A_11 = vector.broadcast %add3A_10 : i32 to vector<64x1024xi32>
    %add3A_12 = arith.addi %add3A_8, %add3A_11 : vector<64x1024xi32>
    %add3A_13 = arith.addi %broadcast_in_dim3A_9, %add3A_12 : vector<64x1024xi32>
    %shift_left3A = arith.constant 13 : i32
    %shift_left3A_14 = vector.broadcast %shift_left3A : i32 to vector<64x1024xi32>
    %shift_left3A_15 = arith.shli %add3A_12, %shift_left3A_14 : vector<64x1024xi32>
    %shift_right_logical3A = arith.constant 19 : i32
    %shift_right_logical3A_16 = vector.broadcast %shift_right_logical3A : i32 to vector<64x1024xi32>
    %shift_right_logical3A_17 = arith.shrui %add3A_12, %shift_right_logical3A_16 : vector<64x1024xi32>
    %or3A = arith.ori %shift_left3A_15, %shift_right_logical3A_17 : vector<64x1024xi32>
    %xor3A = arith.xori %add3A_13, %or3A : vector<64x1024xi32>
    %add3A_18 = arith.addi %add3A_13, %xor3A : vector<64x1024xi32>
    %shift_left3A_19 = arith.constant 15 : i32
    %shift_left3A_20 = vector.broadcast %shift_left3A_19 : i32 to vector<64x1024xi32>
    %shift_left3A_21 = arith.shli %xor3A, %shift_left3A_20 : vector<64x1024xi32>
    %shift_right_logical3A_22 = arith.constant 17 : i32
    %shift_right_logical3A_23 = vector.broadcast %shift_right_logical3A_22 : i32 to vector<64x1024xi32>
    %shift_right_logical3A_24 = arith.shrui %xor3A, %shift_right_logical3A_23 : vector<64x1024xi32>
    %or3A_25 = arith.ori %shift_left3A_21, %shift_right_logical3A_24 : vector<64x1024xi32>
    %xor3A_26 = arith.xori %add3A_18, %or3A_25 : vector<64x1024xi32>
    %add3A_27 = arith.addi %add3A_18, %xor3A_26 : vector<64x1024xi32>
    %shift_left3A_28 = arith.constant 26 : i32
    %shift_left3A_29 = vector.broadcast %shift_left3A_28 : i32 to vector<64x1024xi32>
    %shift_left3A_30 = arith.shli %xor3A_26, %shift_left3A_29 : vector<64x1024xi32>
    %shift_right_logical3A_31 = arith.constant 6 : i32
    %shift_right_logical3A_32 = vector.broadcast %shift_right_logical3A_31 : i32 to vector<64x1024xi32>
    %shift_right_logical3A_33 = arith.shrui %xor3A_26, %shift_right_logical3A_32 : vector<64x1024xi32>
    %or3A_34 = arith.ori %shift_left3A_30, %shift_right_logical3A_33 : vector<64x1024xi32>
    %xor3A_35 = arith.xori %add3A_27, %or3A_34 : vector<64x1024xi32>
    %add3A_36 = arith.addi %add3A_27, %xor3A_35 : vector<64x1024xi32>
    %shift_left3A_37 = arith.constant 6 : i32
    %shift_left3A_38 = vector.broadcast %shift_left3A_37 : i32 to vector<64x1024xi32>
    %shift_left3A_39 = arith.shli %xor3A_35, %shift_left3A_38 : vector<64x1024xi32>
    %shift_right_logical3A_40 = arith.constant 26 : i32
    %shift_right_logical3A_41 = vector.broadcast %shift_right_logical3A_40 : i32 to vector<64x1024xi32>
    %shift_right_logical3A_42 = arith.shrui %xor3A_35, %shift_right_logical3A_41 : vector<64x1024xi32>
    %or3A_43 = arith.ori %shift_left3A_39, %shift_right_logical3A_42 : vector<64x1024xi32>
    %xor3A_44 = arith.xori %add3A_36, %or3A_43 : vector<64x1024xi32>
    %add3A_45 = arith.constant 42 : i32
    %add3A_46 = vector.broadcast %add3A_45 : i32 to vector<64x1024xi32>
    %add3A_47 = arith.addi %add3A_36, %add3A_46 : vector<64x1024xi32>
    %add3A_48 = arith.constant 466689009 : i32
    %add3A_49 = vector.broadcast %add3A_48 : i32 to vector<64x1024xi32>
    %add3A_50 = arith.addi %xor3A_44, %add3A_49 : vector<64x1024xi32>
    %add3A_51 = arith.addi %add3A_47, %add3A_50 : vector<64x1024xi32>
    %shift_left3A_52 = arith.constant 17 : i32
    %shift_left3A_53 = vector.broadcast %shift_left3A_52 : i32 to vector<64x1024xi32>
    %shift_left3A_54 = arith.shli %add3A_50, %shift_left3A_53 : vector<64x1024xi32>
    %shift_right_logical3A_55 = arith.constant 15 : i32
    %shift_right_logical3A_56 = vector.broadcast %shift_right_logical3A_55 : i32 to vector<64x1024xi32>
    %shift_right_logical3A_57 = arith.shrui %add3A_50, %shift_right_logical3A_56 : vector<64x1024xi32>
    %or3A_58 = arith.ori %shift_left3A_54, %shift_right_logical3A_57 : vector<64x1024xi32>
    %xor3A_59 = arith.xori %add3A_51, %or3A_58 : vector<64x1024xi32>
    %add3A_60 = arith.addi %add3A_51, %xor3A_59 : vector<64x1024xi32>
    %shift_left3A_61 = arith.constant 29 : i32
    %shift_left3A_62 = vector.broadcast %shift_left3A_61 : i32 to vector<64x1024xi32>
    %shift_left3A_63 = arith.shli %xor3A_59, %shift_left3A_62 : vector<64x1024xi32>
    %shift_right_logical3A_64 = arith.constant 3 : i32
    %shift_right_logical3A_65 = vector.broadcast %shift_right_logical3A_64 : i32 to vector<64x1024xi32>
    %shift_right_logical3A_66 = arith.shrui %xor3A_59, %shift_right_logical3A_65 : vector<64x1024xi32>
    %or3A_67 = arith.ori %shift_left3A_63, %shift_right_logical3A_66 : vector<64x1024xi32>
    %xor3A_68 = arith.xori %add3A_60, %or3A_67 : vector<64x1024xi32>
    %add3A_69 = arith.addi %add3A_60, %xor3A_68 : vector<64x1024xi32>
    %shift_left3A_70 = arith.constant 16 : i32
    %shift_left3A_71 = vector.broadcast %shift_left3A_70 : i32 to vector<64x1024xi32>
    %shift_left3A_72 = arith.shli %xor3A_68, %shift_left3A_71 : vector<64x1024xi32>
    %shift_right_logical3A_73 = arith.constant 16 : i32
    %shift_right_logical3A_74 = vector.broadcast %shift_right_logical3A_73 : i32 to vector<64x1024xi32>
    %shift_right_logical3A_75 = arith.shrui %xor3A_68, %shift_right_logical3A_74 : vector<64x1024xi32>
    %or3A_76 = arith.ori %shift_left3A_72, %shift_right_logical3A_75 : vector<64x1024xi32>
    %xor3A_77 = arith.xori %add3A_69, %or3A_76 : vector<64x1024xi32>
    %add3A_78 = arith.addi %add3A_69, %xor3A_77 : vector<64x1024xi32>
    %shift_left3A_79 = arith.constant 24 : i32
    %shift_left3A_80 = vector.broadcast %shift_left3A_79 : i32 to vector<64x1024xi32>
    %shift_left3A_81 = arith.shli %xor3A_77, %shift_left3A_80 : vector<64x1024xi32>
    %shift_right_logical3A_82 = arith.constant 8 : i32
    %shift_right_logical3A_83 = vector.broadcast %shift_right_logical3A_82 : i32 to vector<64x1024xi32>
    %shift_right_logical3A_84 = arith.shrui %xor3A_77, %shift_right_logical3A_83 : vector<64x1024xi32>
    %or3A_85 = arith.ori %shift_left3A_81, %shift_right_logical3A_84 : vector<64x1024xi32>
    %xor3A_86 = arith.xori %add3A_78, %or3A_85 : vector<64x1024xi32>
    %add3A_87 = arith.constant 466689008 : i32
    %add3A_88 = vector.broadcast %add3A_87 : i32 to vector<64x1024xi32>
    %add3A_89 = arith.addi %add3A_78, %add3A_88 : vector<64x1024xi32>
    %add3A_90 = arith.constant 2 : i32
    %add3A_91 = vector.broadcast %add3A_90 : i32 to vector<64x1024xi32>
    %add3A_92 = arith.addi %xor3A_86, %add3A_91 : vector<64x1024xi32>
    %add3A_93 = arith.addi %add3A_89, %add3A_92 : vector<64x1024xi32>
    %shift_left3A_94 = arith.constant 13 : i32
    %shift_left3A_95 = vector.broadcast %shift_left3A_94 : i32 to vector<64x1024xi32>
    %shift_left3A_96 = arith.shli %add3A_92, %shift_left3A_95 : vector<64x1024xi32>
    %shift_right_logical3A_97 = arith.constant 19 : i32
    %shift_right_logical3A_98 = vector.broadcast %shift_right_logical3A_97 : i32 to vector<64x1024xi32>
    %shift_right_logical3A_99 = arith.shrui %add3A_92, %shift_right_logical3A_98 : vector<64x1024xi32>
    %or3A_100 = arith.ori %shift_left3A_96, %shift_right_logical3A_99 : vector<64x1024xi32>
    %xor3A_101 = arith.xori %add3A_93, %or3A_100 : vector<64x1024xi32>
    %add3A_102 = arith.addi %add3A_93, %xor3A_101 : vector<64x1024xi32>
    %shift_left3A_103 = arith.constant 15 : i32
    %shift_left3A_104 = vector.broadcast %shift_left3A_103 : i32 to vector<64x1024xi32>
    %shift_left3A_105 = arith.shli %xor3A_101, %shift_left3A_104 : vector<64x1024xi32>
    %shift_right_logical3A_106 = arith.constant 17 : i32
    %shift_right_logical3A_107 = vector.broadcast %shift_right_logical3A_106 : i32 to vector<64x1024xi32>
    %shift_right_logical3A_108 = arith.shrui %xor3A_101, %shift_right_logical3A_107 : vector<64x1024xi32>
    %or3A_109 = arith.ori %shift_left3A_105, %shift_right_logical3A_108 : vector<64x1024xi32>
    %xor3A_110 = arith.xori %add3A_102, %or3A_109 : vector<64x1024xi32>
    %add3A_111 = arith.addi %add3A_102, %xor3A_110 : vector<64x1024xi32>
    %shift_left3A_112 = arith.constant 26 : i32
    %shift_left3A_113 = vector.broadcast %shift_left3A_112 : i32 to vector<64x1024xi32>
    %shift_left3A_114 = arith.shli %xor3A_110, %shift_left3A_113 : vector<64x1024xi32>
    %shift_right_logical3A_115 = arith.constant 6 : i32
    %shift_right_logical3A_116 = vector.broadcast %shift_right_logical3A_115 : i32 to vector<64x1024xi32>
    %shift_right_logical3A_117 = arith.shrui %xor3A_110, %shift_right_logical3A_116 : vector<64x1024xi32>
    %or3A_118 = arith.ori %shift_left3A_114, %shift_right_logical3A_117 : vector<64x1024xi32>
    %xor3A_119 = arith.xori %add3A_111, %or3A_118 : vector<64x1024xi32>
    %add3A_120 = arith.addi %add3A_111, %xor3A_119 : vector<64x1024xi32>
    %shift_left3A_121 = arith.constant 6 : i32
    %shift_left3A_122 = vector.broadcast %shift_left3A_121 : i32 to vector<64x1024xi32>
    %shift_left3A_123 = arith.shli %xor3A_119, %shift_left3A_122 : vector<64x1024xi32>
    %shift_right_logical3A_124 = arith.constant 26 : i32
    %shift_right_logical3A_125 = vector.broadcast %shift_right_logical3A_124 : i32 to vector<64x1024xi32>
    %shift_right_logical3A_126 = arith.shrui %xor3A_119, %shift_right_logical3A_125 : vector<64x1024xi32>
    %or3A_127 = arith.ori %shift_left3A_123, %shift_right_logical3A_126 : vector<64x1024xi32>
    %xor3A_128 = arith.xori %add3A_120, %or3A_127 : vector<64x1024xi32>
    %add3A_129 = arith.constant 45 : i32
    %add3A_130 = vector.broadcast %add3A_129 : i32 to vector<64x1024xi32>
    %add3A_131 = arith.addi %xor3A_128, %add3A_130 : vector<64x1024xi32>
    %add3A_132 = arith.addi %add3A_120, %add3A_131 : vector<64x1024xi32>
    %shift_left3A_133 = arith.constant 17 : i32
    %shift_left3A_134 = vector.broadcast %shift_left3A_133 : i32 to vector<64x1024xi32>
    %shift_left3A_135 = arith.shli %add3A_131, %shift_left3A_134 : vector<64x1024xi32>
    %shift_right_logical3A_136 = arith.constant 15 : i32
    %shift_right_logical3A_137 = vector.broadcast %shift_right_logical3A_136 : i32 to vector<64x1024xi32>
    %shift_right_logical3A_138 = arith.shrui %add3A_131, %shift_right_logical3A_137 : vector<64x1024xi32>
    %or3A_139 = arith.ori %shift_left3A_135, %shift_right_logical3A_138 : vector<64x1024xi32>
    %xor3A_140 = arith.xori %add3A_132, %or3A_139 : vector<64x1024xi32>
    %add3A_141 = arith.addi %add3A_132, %xor3A_140 : vector<64x1024xi32>
    %shift_left3A_142 = arith.constant 29 : i32
    %shift_left3A_143 = vector.broadcast %shift_left3A_142 : i32 to vector<64x1024xi32>
    %shift_left3A_144 = arith.shli %xor3A_140, %shift_left3A_143 : vector<64x1024xi32>
    %shift_right_logical3A_145 = arith.constant 3 : i32
    %shift_right_logical3A_146 = vector.broadcast %shift_right_logical3A_145 : i32 to vector<64x1024xi32>
    %shift_right_logical3A_147 = arith.shrui %xor3A_140, %shift_right_logical3A_146 : vector<64x1024xi32>
    %or3A_148 = arith.ori %shift_left3A_144, %shift_right_logical3A_147 : vector<64x1024xi32>
    %xor3A_149 = arith.xori %add3A_141, %or3A_148 : vector<64x1024xi32>
    %add3A_150 = arith.addi %add3A_141, %xor3A_149 : vector<64x1024xi32>
    %shift_left3A_151 = arith.constant 16 : i32
    %shift_left3A_152 = vector.broadcast %shift_left3A_151 : i32 to vector<64x1024xi32>
    %shift_left3A_153 = arith.shli %xor3A_149, %shift_left3A_152 : vector<64x1024xi32>
    %shift_right_logical3A_154 = arith.constant 16 : i32
    %shift_right_logical3A_155 = vector.broadcast %shift_right_logical3A_154 : i32 to vector<64x1024xi32>
    %shift_right_logical3A_156 = arith.shrui %xor3A_149, %shift_right_logical3A_155 : vector<64x1024xi32>
    %or3A_157 = arith.ori %shift_left3A_153, %shift_right_logical3A_156 : vector<64x1024xi32>
    %xor3A_158 = arith.xori %add3A_150, %or3A_157 : vector<64x1024xi32>
    %add3A_159 = arith.addi %add3A_150, %xor3A_158 : vector<64x1024xi32>
    %shift_left3A_160 = arith.constant 24 : i32
    %shift_left3A_161 = vector.broadcast %shift_left3A_160 : i32 to vector<64x1024xi32>
    %shift_left3A_162 = arith.shli %xor3A_158, %shift_left3A_161 : vector<64x1024xi32>
    %shift_right_logical3A_163 = arith.constant 8 : i32
    %shift_right_logical3A_164 = vector.broadcast %shift_right_logical3A_163 : i32 to vector<64x1024xi32>
    %shift_right_logical3A_165 = arith.shrui %xor3A_158, %shift_right_logical3A_164 : vector<64x1024xi32>
    %or3A_166 = arith.ori %shift_left3A_162, %shift_right_logical3A_165 : vector<64x1024xi32>
    %xor3A_167 = arith.xori %add3A_159, %or3A_166 : vector<64x1024xi32>
    %add3A_168 = arith.constant 42 : i32
    %add3A_169 = vector.broadcast %add3A_168 : i32 to vector<64x1024xi32>
    %add3A_170 = arith.addi %add3A_159, %add3A_169 : vector<64x1024xi32>
    %add3A_171 = arith.constant 466689012 : i32
    %add3A_172 = vector.broadcast %add3A_171 : i32 to vector<64x1024xi32>
    %add3A_173 = arith.addi %xor3A_167, %add3A_172 : vector<64x1024xi32>
    %add3A_174 = arith.addi %add3A_170, %add3A_173 : vector<64x1024xi32>
    %shift_left3A_175 = arith.constant 13 : i32
    %shift_left3A_176 = vector.broadcast %shift_left3A_175 : i32 to vector<64x1024xi32>
    %shift_left3A_177 = arith.shli %add3A_173, %shift_left3A_176 : vector<64x1024xi32>
    %shift_right_logical3A_178 = arith.constant 19 : i32
    %shift_right_logical3A_179 = vector.broadcast %shift_right_logical3A_178 : i32 to vector<64x1024xi32>
    %shift_right_logical3A_180 = arith.shrui %add3A_173, %shift_right_logical3A_179 : vector<64x1024xi32>
    %or3A_181 = arith.ori %shift_left3A_177, %shift_right_logical3A_180 : vector<64x1024xi32>
    %xor3A_182 = arith.xori %add3A_174, %or3A_181 : vector<64x1024xi32>
    %add3A_183 = arith.addi %add3A_174, %xor3A_182 : vector<64x1024xi32>
    %shift_left3A_184 = arith.constant 15 : i32
    %shift_left3A_185 = vector.broadcast %shift_left3A_184 : i32 to vector<64x1024xi32>
    %shift_left3A_186 = arith.shli %xor3A_182, %shift_left3A_185 : vector<64x1024xi32>
    %shift_right_logical3A_187 = arith.constant 17 : i32
    %shift_right_logical3A_188 = vector.broadcast %shift_right_logical3A_187 : i32 to vector<64x1024xi32>
    %shift_right_logical3A_189 = arith.shrui %xor3A_182, %shift_right_logical3A_188 : vector<64x1024xi32>
    %or3A_190 = arith.ori %shift_left3A_186, %shift_right_logical3A_189 : vector<64x1024xi32>
    %xor3A_191 = arith.xori %add3A_183, %or3A_190 : vector<64x1024xi32>
    %add3A_192 = arith.addi %add3A_183, %xor3A_191 : vector<64x1024xi32>
    %shift_left3A_193 = arith.constant 26 : i32
    %shift_left3A_194 = vector.broadcast %shift_left3A_193 : i32 to vector<64x1024xi32>
    %shift_left3A_195 = arith.shli %xor3A_191, %shift_left3A_194 : vector<64x1024xi32>
    %shift_right_logical3A_196 = arith.constant 6 : i32
    %shift_right_logical3A_197 = vector.broadcast %shift_right_logical3A_196 : i32 to vector<64x1024xi32>
    %shift_right_logical3A_198 = arith.shrui %xor3A_191, %shift_right_logical3A_197 : vector<64x1024xi32>
    %or3A_199 = arith.ori %shift_left3A_195, %shift_right_logical3A_198 : vector<64x1024xi32>
    %xor3A_200 = arith.xori %add3A_192, %or3A_199 : vector<64x1024xi32>
    %add3A_201 = arith.addi %add3A_192, %xor3A_200 : vector<64x1024xi32>
    %shift_left3A_202 = arith.constant 6 : i32
    %shift_left3A_203 = vector.broadcast %shift_left3A_202 : i32 to vector<64x1024xi32>
    %shift_left3A_204 = arith.shli %xor3A_200, %shift_left3A_203 : vector<64x1024xi32>
    %shift_right_logical3A_205 = arith.constant 26 : i32
    %shift_right_logical3A_206 = vector.broadcast %shift_right_logical3A_205 : i32 to vector<64x1024xi32>
    %shift_right_logical3A_207 = arith.shrui %xor3A_200, %shift_right_logical3A_206 : vector<64x1024xi32>
    %or3A_208 = arith.ori %shift_left3A_204, %shift_right_logical3A_207 : vector<64x1024xi32>
    %xor3A_209 = arith.xori %add3A_201, %or3A_208 : vector<64x1024xi32>
    %add3A_210 = arith.constant 466689008 : i32
    %add3A_211 = vector.broadcast %add3A_210 : i32 to vector<64x1024xi32>
    %add3A_212 = arith.addi %add3A_201, %add3A_211 : vector<64x1024xi32>
    %add3A_213 = arith.constant 5 : i32
    %add3A_214 = vector.broadcast %add3A_213 : i32 to vector<64x1024xi32>
    %add3A_215 = arith.addi %xor3A_209, %add3A_214 : vector<64x1024xi32>
    %xor3A_216 = arith.xori %add3A_212, %add3A_215 : vector<64x1024xi32>
    %shift_right_logical3A_217 = arith.constant 9 : i32
    %shift_right_logical3A_218 = vector.broadcast %shift_right_logical3A_217 : i32 to vector<64x1024xi32>
    %shift_right_logical3A_219 = arith.shrui %xor3A_216, %shift_right_logical3A_218 : vector<64x1024xi32>
    %or3A_220 = arith.constant 1065353216 : i32
    %or3A_221 = vector.broadcast %or3A_220 : i32 to vector<64x1024xi32>
    %or3A_222 = arith.ori %shift_right_logical3A_219, %or3A_221 : vector<64x1024xi32>
    %bitcast_convert_type3A = tpu.bitcast %or3A_222 : vector<64x1024xi32> -> vector<64x1024xf32>
    %sub3A = arith.constant 1.000000e+00 : f32
    %sub3A_223 = vector.broadcast %sub3A : f32 to vector<64x1024xf32>
    %sub3A_224 = arith.subf %bitcast_convert_type3A, %sub3A_223 : vector<64x1024xf32>
    %mul3A_225 = arith.constant 1.000000e+00 : f32
    %mul3A_226 = vector.broadcast %mul3A_225 : f32 to vector<64x1024xf32>
    %mul3A_227 = arith.mulf %sub3A_224, %mul3A_226 : vector<64x1024xf32>
    %add3A_228 = arith.constant 1.17549435E-38 : f32
    %add3A_229 = vector.broadcast %add3A_228 : f32 to vector<64x1024xf32>
    %add3A_230 = arith.addf %mul3A_227, %add3A_229 : vector<64x1024xf32>
    %log3A = math.log %add3A_230 : vector<64x1024xf32>
    %neg3A = arith.constant 0.000000e+00 : f32
    %neg3A_231 = vector.broadcast %neg3A : f32 to vector<64x1024xf32>
    %neg3A_232 = arith.subf %neg3A_231, %log3A : vector<64x1024xf32>
    %log3A_233 = math.log %neg3A_232 : vector<64x1024xf32>
    %neg3A_234 = arith.constant 0.000000e+00 : f32
    %neg3A_235 = vector.broadcast %neg3A_234 : f32 to vector<64x1024xf32>
    %neg3A_236 = arith.subf %neg3A_235, %log3A_233 : vector<64x1024xf32>
    %reduce_max3A = arith.constant dense<0xFF800000> : vector<1024xf32>
    %reduce_max3A_237 = vector.multi_reduction <maximumf>, %get3A_1, %reduce_max3A [0] : vector<64x1024xf32> to vector<1024xf32>
    %broadcast_in_dim3A_238 = vector.shape_cast %reduce_max3A_237 : vector<1024xf32> to vector<1x1024xf32>
    %sub3A_239 = vector.broadcast %broadcast_in_dim3A_238 : vector<1x1024xf32> to vector<64x1024xf32>
    %sub3A_240 = arith.subf %get3A_1, %sub3A_239 : vector<64x1024xf32>
    %exp3A = math.exp %sub3A_240 : vector<64x1024xf32>
    %reduce_sum3A = arith.constant dense<0.000000e+00> : vector<1024xf32>
    %reduce_sum3A_241 = vector.multi_reduction <add>, %exp3A, %reduce_sum3A [0] : vector<64x1024xf32> to vector<1024xf32>
    %broadcast_in_dim3A_242 = vector.shape_cast %reduce_sum3A_241 : vector<1024xf32> to vector<1x1024xf32>
    %div3A = vector.broadcast %broadcast_in_dim3A_242 : vector<1x1024xf32> to vector<64x1024xf32>
    %div3A_243 = arith.divf %exp3A, %div3A : vector<64x1024xf32>
    %log3A_244 = math.log %div3A_243 : vector<64x1024xf32>
    %add3A_245 = arith.addf %neg3A_236, %log3A_244 : vector<64x1024xf32>
    %reduce_max3A_246 = arith.constant dense<0xFF800000> : vector<1024xf32>
    %reduce_max3A_247 = vector.multi_reduction <maximumf>, %add3A_245, %reduce_max3A_246 [0] : vector<64x1024xf32> to vector<1024xf32>
    %broadcast_in_dim3A_248 = vector.shape_cast %reduce_max3A_247 : vector<1024xf32> to vector<1x1024xf32>
    %eq3A = vector.broadcast %broadcast_in_dim3A_248 : vector<1x1024xf32> to vector<64x1024xf32>
    %eq3A_249 = arith.cmpf oeq, %add3A_245, %eq3A : vector<64x1024xf32>
    %jit3A = arith.constant 64 : i32
    %broadcast_in_dim3A_250 = vector.broadcast %jit3A : i32 to vector<64x1024xi32>
    %select_n3A = arith.select %eq3A_249, %iota3A, %broadcast_in_dim3A_250 : vector<64x1024xi1>, vector<64x1024xi32>
    %reduce_min3A = arith.constant dense<2147483647> : vector<1024xi32>
    %reduce_min3A_251 = vector.multi_reduction <minsi>, %select_n3A, %reduce_min3A [0] : vector<64x1024xi32> to vector<1024xi32>
    %broadcast_in_dim3A_252 = vector.shape_cast %reduce_min3A_251 : vector<1024xi32> to vector<1x1024xi32>
    %iota3A_253 = tpu.iota {dimensions = array<i32: 1>} : vector<1x1024xi32>
    %add3A_254 = vector.broadcast %mul3A_2 : i32 to vector<1x1024xi32>
    %add3A_255 = arith.addi %iota3A_253, %add3A_254 : vector<1x1024xi32>
    %mul3A_256 = arith.constant 64 : i32
    %mul3A_257 = vector.broadcast %mul3A_256 : i32 to vector<1x1024xi32>
    %mul3A_258 = arith.muli %add3A_255, %mul3A_257 : vector<1x1024xi32>
    %add3A_259 = arith.addi %broadcast_in_dim3A_252, %mul3A_258 : vector<1x1024xi32>
    %reshape3A = vector.shape_cast %add3A_259 : vector<1x1024xi32> to vector<8x128xi32>
    %swap3A = arith.constant 0 : index
    %swap3A_260 = arith.constant 0 : index
    %swap3A_261 = vector.load %arg2[%swap3A, %swap3A_260] : memref<8x128xi32, #tpu.memory_space<vmem>>, vector<8x128xi32>
    tpu.vector_store %arg2[%swap3A, %swap3A_260], %reshape3A {strides = array<i32>} : memref<8x128xi32, #tpu.memory_space<vmem>>, vector<8x128xi32>,
    return
  }
  func.func @transform_0(%arg0: i32) -> (i32, i32) {
    %c0_i32 = arith.constant 0 : i32
    %c0_i32_0 = arith.constant 0 : i32
    return %c0_i32, %arg0 : i32, i32
  }
  func.func @transform_1(%arg0: i32) -> (i32, i32) {
    %c0_i32 = arith.constant 0 : i32
    %c0_i32_0 = arith.constant 0 : i32
    return %arg0, %c0_i32 : i32, i32
  }
}

</mosaic_0001>

<sc_bundles>
// kernel: kernel.6.cloned.1.call-start
scs
__scs_entry_jumppad:
0x0: {  	(pc) =	sbr.rel $0x88, $3  }
0x1: {  	(tag) =	ssettag $0x0;
	lr =	simm.s32 $0x1  }
0x2: {  	[smem:$0x3F9E] =	sst lr;
	_ =	strace $0xD0000000  }
0x3: {  	_ = 	snop  }
0x4: {  	_ = 	snop  }
0x5: {  	_ = 	snop  }
0x6: {  	_ = 	snop  }
0x7: {  	_ = 	snop  }
__scs_overlays_trampoline_lowered:
0x8: {  	[smem:$0x3FAD] =	sst s0  }
0x9: {  	[smem:$0x3FAE] =	sst s1  }
0xa: {  	[smem:$0x3FAF] =	sst s2  }
0xb: {  	[smem:$0x3FB0] =	sst s3  }
0xc: {  	[smem:$0x3FB1] =	sst s4  }
0xd: {  	[smem:$0x3FB2] =	sst s5  }
0xe: {  	[smem:$0x3FB3] =	sst s6  }
0xf: {  	[smem:$0x3FB4] =	sst s7  }
0x10: {  	[smem:$0x3FB5] =	sst s8  }
0x11: {  	[smem:$0x3FB6] =	sst s9;
	s0 =	simm.s32 @!p0 $0x0  }
0x12: {  	s1 =	sld [smem:$0x3F9C];
	s0 =	simm.s32 @p0 $0x1  }
0x13: {  	[smem:$0x3FB7] =	sst s0;
	s0 =	simm.s32 @!p1 $0x0  }
0x14: {  	s2 =	sld [smem:$0x3F9B];
	s0 =	simm.s32 @p1 $0x1  }
0x15: {  	[smem:$0x3FB8] =	sst s0;
	s0 =	simm.s32 @!p2 $0x0  }
0x16: {  	s3 =	sld [smem:$0x3FDB];
	s0 =	simm.s32 @p2 $0x1  }
0x17: {  	s4 =	simm.s32 $0x1BF5;
	[smem:$0x3FBA] =	sst s0  }
0x18: {  	s0 =	sld [smem:$0x3F9D];
	_ =	swait.ge [sflag:s4], $0x0  }
0x19: {  	s7 =	sld [smem:$0x3F9E]  }
0x1a: {  	s8 =	sadd.s32 $0xFFFFE003, lr  }
0x1b: {  	s9 =	sadd.s32 $0xFFFFFEF7, lr;
	s5 =	simm.s32 $0xFFFFFFFF;
	p2 =	slt.u32 s8, $0xFFFFF086  }
0x1c: {  	p1 =	slt.u32 s9, $0xF7A;
	s5 =	simm.s32 @!p2 $0x0  }
0x1d: {  	s5 =	simm.s32 @p1 $0x1;
	p0 =	seq.s32 s7, s2  }
0x1e: {  	s7 =	smul.u32 @!p0 $0xF7A, s2;
	p2 =	seq.s32 @!p0 s5, $0x0  }
0x1f: {  	s9 =	smul.u32 $0xF7A, s1;
	s8 =	simm.s32 @!p0 $0x1BF5;
	p2 =	por !p2, p0  }
0x20: {  	[sflag:s8] =	ssyncset.s32 @!p0 $0xFFFFF086;
	s6 =	sadd.s32 @!p0 s3, s7;
	s7 =	simm.s32 @!p0 $0x108  }
0x21: {  	s3 =	sadd.s32 s3, s9;
	s6 =	sadd.s32 @!p0 $0x88, s6;
	s7 =	simm.s32 @p2 $0x1082  }
0x22: {  	[simem:s7], [sflag:s8] =	dma.local @!p0 [hbm:s6], $0xF7A  }
0x23: {  	s9 =	sor.u32 $0xD0000000, s2;
	s6 =	simm.s32 $0x108;
	_ =	swait.ge @!p0 [sflag:s8], $0x0  }
0x24: {  	s3 =	sadd.s32 $0x88, s3;
	s6 =	simm.s32 @!p1 $0x1082;
	[sflag:s4] =	ssyncset.s32 $0xFFFFF086  }
0x25: {  	[simem:s6], [sflag:s4] =	dma.local [hbm:s3], $0xF7A  }
0x26: {  	[smem:$0x3F9E] =	sst s1;
	(tag) =	ssettag s2;
	_ =	strace s9  }
0x27: {  	s1 =	sld [smem:$0x3FAE]  }
0x28: {  	s2 =	sld [smem:$0x3FAF]  }
0x29: {  	s4 =	sld [smem:$0x3FB1]  }
0x2a: {  	p0 =	seq.s32 s5, $0x0;
	s5 =	sld [smem:$0x3FB2]  }
0x2b: {  	s6 =	sld [smem:$0x3FB3]  }
0x2c: {  	s7 =	sld [smem:$0x3FB4]  }
0x2d: {  	s3 =	simm.s32 $0x108;
	s8 =	sld [smem:$0x3FB5]  }
0x2e: {  	s3 =	simm.s32 @!p0 $0x1082;
	s9 =	sld [smem:$0x3FB6]  }
0x2f: {  	lr =	sadd.s32 s0, s3;
	s0 =	sld [smem:$0x3FAD]  }
0x30: {  	s3 =	sld [smem:$0x3FB0]  }
0x31: {  	[smem:$0x3FB9] =	sst s10  }
0x32: {  	s10 =	sld [smem:$0x3FB7];
	_ =	sdelay $0x3  }
0x33: {  	p0 =	seq.s32 s10, $0x1;
	s10 =	sld [smem:$0x3FB9];
	_ =	sdelay $0x3  }
0x34: {  	[smem:$0x3FB9] =	sst s10  }
0x35: {  	s10 =	sld [smem:$0x3FB8];
	_ =	sdelay $0x3  }
0x36: {  	p1 =	seq.s32 s10, $0x1;
	s10 =	sld [smem:$0x3FB9];
	_ =	sdelay $0x3  }
0x37: {  	[smem:$0x3FB9] =	sst s10  }
0x38: {  	s10 =	sld [smem:$0x3FBA]  }
0x39: {  	_ = 	snop;
	(pc) =	sbr.ind lr, $3  }
0x3a: {  	_ = 	snop  }
0x3b: {  	_ = 	snop  }
0x3c: {  	p2 =	seq.s32 s10, $0x1;
	s10 =	sld [smem:$0x3FB9]  }
0x3d: {  	_ =	shalt  }
0x3e: {  	_ =	shalt  }
0x3f: {  	_ =	shalt  }
0x40: {  	_ =	shalt  }
0x41: {  	_ =	shalt  }
0x42: {  	_ =	shalt  }
0x43: {  	_ =	shalt  }
0x44: {  	_ =	shalt  }
0x45: {  	_ =	shalt  }
0x46: {  	_ =	shalt  }
0x47: {  	_ =	shalt  }
0x48: {  	_ =	shalt  }
0x49: {  	_ =	shalt  }
0x4a: {  	_ =	shalt  }
0x4b: {  	_ =	shalt  }
0x4c: {  	_ =	shalt  }
0x4d: {  	_ =	shalt  }
0x4e: {  	_ =	shalt  }
0x4f: {  	_ =	shalt  }
0x50: {  	_ =	shalt  }
0x51: {  	_ =	shalt  }
0x52: {  	_ =	shalt  }
0x53: {  	_ =	shalt  }
0x54: {  	_ =	shalt  }
0x55: {  	_ =	shalt  }
0x56: {  	_ =	shalt  }
0x57: {  	_ =	shalt  }
0x58: {  	_ =	shalt  }
0x59: {  	_ =	shalt  }
0x5a: {  	_ =	shalt  }
0x5b: {  	_ =	shalt  }
0x5c: {  	_ =	shalt  }
0x5d: {  	_ =	shalt  }
0x5e: {  	_ =	shalt  }
0x5f: {  	_ =	shalt  }
0x60: {  	_ =	shalt  }
0x61: {  	_ =	shalt  }
0x62: {  	_ =	shalt  }
0x63: {  	_ =	shalt  }
0x64: {  	_ =	shalt  }
0x65: {  	_ =	shalt  }
0x66: {  	_ =	shalt  }
0x67: {  	_ =	shalt  }
0x68: {  	_ =	shalt  }
0x69: {  	_ =	shalt  }
0x6a: {  	_ =	shalt  }
0x6b: {  	_ =	shalt  }
0x6c: {  	_ =	shalt  }
0x6d: {  	_ =	shalt  }
0x6e: {  	_ =	shalt  }
0x6f: {  	_ =	shalt  }
0x70: {  	_ =	shalt  }
0x71: {  	_ =	shalt  }
0x72: {  	_ =	shalt  }
0x73: {  	_ =	shalt  }
0x74: {  	_ =	shalt  }
0x75: {  	_ =	shalt  }
0x76: {  	_ =	shalt  }
0x77: {  	_ =	shalt  }
0x78: {  	_ =	shalt  }
0x79: {  	_ =	shalt  }
0x7a: {  	_ =	shalt  }
0x7b: {  	_ =	shalt  }
0x7c: {  	_ =	shalt  }
0x7d: {  	_ =	shalt  }
0x7e: {  	_ =	shalt  }
0x7f: {  	_ =	shalt  }
0x80: {  	_ =	shalt  }
0x81: {  	_ =	shalt  }
0x82: {  	_ =	shalt  }
0x83: {  	_ =	shalt  }
0x84: {  	_ =	shalt  }
0x85: {  	_ =	shalt  }
0x86: {  	_ =	shalt  }
0x87: {  	_ =	shalt  }
.Lfunc_end0:
.L_simem_size_0:
called_computation_lowered:
.L_overlay_start_0:
0x88: {  	s2 =	sld [smem:$0x3FD9]  }
0x89: {  	s3 =	sld [smem:$0x3FFE];
	_ =	sdelay $0x1  }
0x8a: {  	s1 =	srdreg.scid  }
0x8b: {  	s0 =	sand.u32 $0x1, s1  }
0x8c: {  	s17 =	sshll.u32 s0, $0xA;
	s2 =	sadd.s32 s3, s2  }
0x8d: {  	s2 =	sadd.s32 s2, s17  }
0x8e: {  	[smem:$0x3FC5] =	sst s2  }
0x8f: {  	_ = 	snop  }
0x90: {  	s2 =	sld [smem:$0x3FC9]  }
0x91: {  	s18 =	sld [smem:$0x3FC8]  }
0x92: {  	s4 =	sld [smem:$0x3FD0];
	(tm) =	ssettm $0x1  }
0x93: {  	s5 =	sld [smem:$0x3FFB];
	_ =	sdelay $0x3  }
0x94: {  	_ =	strace s5  }
0x95: {  	s5 =	sld [smem:$0x3FFC];
	_ =	sdelay $0x3  }
0x96: {  	_ =	strace s5  }
0x97: {  	s5 =	sld [smem:$0x3FFD];
	_ =	sdelay $0x3  }
0x98: {  	_ =	strace s5  }
0x99: {  	_ =	strace $0x8FFFFFFF  }
0x9a: {  	s19 =	sld [smem:$0x3FDB];
	_ =	sdelay $0x1  }
0x9b: {  	s6 =	simm.s32 $_scs_section_size  }
0x9c: {  	s7 =	simm.s32 $_size__tile_overlayer_lowered;
	s8 =	simm.s32 $_tile_overlayer_lowered  }
0x9d: {  	s22 =	simm.s32 $0x1BFF;
	s21 =	sshll.u32 s8, $0x1;
	s5 =	sadd.s32 s6, s19  }
0x9e: {  	s9 =	simm.s32 $0x0;
	s20 =	sshll.u32 s7, $0x1;
	s7 =	sadd.s32 s21, s5  }
0x9f: {  	[timem:s9], [sflag:s22] =	dma.local [hbm:s7], s20  }
0xa0: {  	_ =	swait.ge [sflag:s22], s20  }
0xa1: {  	s6 =	ssub.s32 $0x0, s20;
	[sflag:s22] =	ssyncset.done $0x0  }
0xa2: {  	[sflag:s22] =	ssyncadd.s32 s6;
	_ =	sdelay $0x1  }
0xa3: {  	s23 =	simm.s32 $0x1B8B  }
0xa4: {  	_ =	swait.ge [sflag:s23], $0x1  }
0xa5: {  	[sflag:s23] =	ssyncset.done $0x0  }
0xa6: {  	s25 =	simm.s32 $0x1B8E;
	s24 =	sld [smem:$0x3FFE];
	[sflag:s23] =	ssyncadd.s32 $0xFFFFFFFF  }
0xa7: {  	s26 =	simm.s32 $execute0_lowered;
	[smem:$0x3FD2] =	sst s25  }
0xa8: {  	s7 =	sshll.u32 s26, $0x1;
	_ =	strace $0x80000046;
	[dreg:$0x1] =	wrdreg $0xFFFFFFFF  }
0xa9: {  	s28 =	simm.s32 $_size_execute0_lowered;
	s5 =	sadd.s32 s5, s7;
	[dreg:$0x0] =	wrdreg $0x0  }
0xaa: {  	s7 =	sshll.u32 s28, $0x1;
	[dreg:$0x2] =	wrdreg s5  }
0xab: {  	[dreg:$0x3] =	wrdreg s7  }
0xac: {  	[dreg:$0x4] =	wrdreg $0xC0  }
0xad: {  	_ =	task [dreg:s9], $0x5FFFF  }
0xae: {  	[dreg:$0x1] =	wrdreg $0xFFFFFFFF  }
0xaf: {  	[dreg:$0x0] =	wrdreg $0x60  }
0xb0: {  	[dreg:$0x2] =	wrdreg s2  }
0xb1: {  	[dreg:$0x3] =	wrdreg s18  }
0xb2: {  	[dreg:$0x4] =	wrdreg s24  }
0xb3: {  	[dreg:$0x5] =	wrdreg s4  }
0xb4: {  	[dreg:$0x6] =	wrdreg $0x9  }
0xb5: {  	_ =	task.clear_ibuf [dreg:s9], $0x7FFFF;
	_ =	strace $0x90000046  }
0xb6: {  	s29 =	simm.s32 $0x9;
	_ =	strace $0x80000048  }
0xb7: {  	_ =	swait.ge [sflag:s29], $0x1  }
0xb8: {  	[sflag:s29] =	ssyncadd.s32 $0xFFFFFFFF  }
0xb9: {  	_ =	strace $0x90000048  }
0xba: {  	_ =	sfence  }
0xbb: {  	s30 =	sld [smem:$0x0];
	_ =	sdelay $0x2  }
0xbc: {  	s31 =	sshll.u32 s1, $0xD;
	s1 =	sshrl.u32 s1, $0x2  }
0xbd: {  	s3 =	sand.u32 $0x4000, s31;
	s1 =	sadd.s32 s1, s30  }
0xbe: {  	s0 =	sor.u32 s3, s0;
	s1 =	sshll.u32 s1, $0x11  }
0xbf: {  	s0 =	sor.u32 s1, s0  }
0xc0: {  	s0 =	sadd.s32 $0x8F2B, s0  }
0xc1: {  	[sflag:s0] =	ssyncadd.remote.s32 $0x1  }
0xc2: {  	_ =	sfence.sel $0xFFFF  }
0xc3: {  	[dreg:$0x0] =	wrdreg $0xFFFFFFFF;
	(pc) =	sbr.abs _section_cstart, $3  }
0xc4: {  	[dreg:$0x1] =	wrdreg $0xFFFFFFFF  }
0xc5: {  	_ =	task.clear_ibuf [dreg:s9], $0x2FFFF;
	_ =	strace $0x9FFFFFFF  }
0xc6: {  	(tm) =	ssettm $0x7FFFFFFF  }
0xc7: {  	_ =	shalt  }
tec
execute0_lowered:
.L_overlay_start_1:
0x0: {  	(tag) =	ssettag $0x1  }
0x1: {  	s1 =	rddreg [dreg:$0x0]  }
0x2: {  	s3 =	srdreg.scid;
	s0 =	stileid.u32  }
0x3: {  	s2 =	rddreg [dreg:$0x1];
	s13 =	sand.u32 $0x1, s3;
	s30 =	sshll.u32 s0, $0x1  }
0x4: {  	s12 =	rddreg [dreg:$0x2];
	s11 =	sor.u32 s13, s30  }
0x5: {  	s10 =	rddreg [dreg:$0x3];
	s4 =	simm.s32 $0x0;
	s5 =	sshll.u32 s11, $0x4  }
0x6: {  	s6 =	simm.s32 $0x4;
	[smem:$0x7FF] =	sst s4;
	s5 =	sadd.s32 s5, s12  }
0x7: {  	s3 =	rddreg [dreg:$0x4];
	_ =	strace $0x80000047;
	s5 =	sadd.s32 $0x1000, s5  }
0x8: {  	[tilespmem:s4], [sflag:$0x4] =	stream.linear.gather [hbm4b:s5+s4], $0x80, $0x38;
	[tilespmem:$0x8080] =	vst v63  }
0x9: {  	_ =	swait.ge [sflag:s6], $0x80  }
0xa: {  	[sflag:s6] =	ssyncset.done $0x0  }
0xb: {  	s7 =	simm.s32 $0x80;
	[sflag:s6] =	ssyncadd.s32 $0xFFFFFF80  }
0xc: {  	[tilespmem:s7], [sflag:$0x1] =	stream.indirect.gather [hbm4b:s1+s7], $0x80, s4, s7, $0xb8;
	[tilespmem:$0x8080] =	vst v63  }
0xd: {  	s8 =	simm.s32 $0x4080;
	s9 =	simm.s32 $0x1  }
0xe: {  	[tilespmem:s8], [sflag:$0x2] =	stream.indirect.gather [hbm4b:s2+s7], $0x80, s4, s7, $0xb8;
	[tilespmem:$0x8080] =	vst v63  }
0xf: {  	s31 =	ssub.s32 $0x2, s13;
	_ =	swait.ge [sflag:s9], $0x4000  }
0x10: {  	s14 =	sshll.u32 s11, $0xB;
	s11 =	simm.s32 $0x2;
	[sflag:s9] =	ssyncset.done $0x0  }
0x11: {  	s15 =	sshrl.u32 s31, $0x1;
	s10 =	sadd.s32 s10, s14;
	[sflag:s9] =	ssyncadd.s32 $0xFFFFC000  }
0x12: {  	[hbm4b:s10+s4] =	stream.linear.scatter [tilespmem:s7], [sflag:$0x3], $0x4000, $0x38;
	[tilespmem:$0x8080] =	vst v63  }
0x13: {  	s12 =	sadd.s32 s14, s12;
	s14 =	ssub.s32 s31, s15;
	_ =	swait.ge [sflag:s11], $0x4000  }
0x14: {  	s13 =	sadd.s32 $0x1200, s12;
	s14 =	smax.u32 s14, $0x1;
	[sflag:s11] =	ssyncset.done $0x0  }
0x15: {  	s12 =	simm.s32 $0x3;
	p0 =	sne.s32 s14, $0x1;
	[sflag:s11] =	ssyncadd.s32 $0xFFFFC000  }
0x16: {  	[hbm4b:s13+s4] =	stream.linear.scatter [tilespmem:s8], [sflag:$0x3], $0x4000, $0x38;
	[tilespmem:$0x8080] =	vst v63  }
.Ltmp0:
0x17: {  	_ =	swait.ge [sflag:s12], $0x4000;
	(pc) =	sbr.rel @!p0 .LBB2_2-.Ltmp0, $4  }
0x18: {  	[sflag:s12] =	ssyncset.done $0x0  }
0x19: {  	[sflag:s12] =	ssyncadd.s32 $0xFFFFC000  }
0x1a: {  	_ =	swait.ge [sflag:s12], $0x4000  }
0x1b: {  	s14 =	sadd.s32 $0xFFFFFFFF, s14;
	[sflag:s12] =	ssyncset.done $0x0  }
.LBB2_1:
0x1c: {  	p0 =	sne.s32 s14, $0x1;
	s14 =	sadd.s32 $0xFFFFFFFF, s14;
	[sflag:s12] =	ssyncadd.s32 $0xFFFFC000  }
0x1d: {  	[tilespmem:s4], [sflag:$0x4] =	stream.linear.gather [hbm4b:s5+s4], $0x80, $0x38;
	[tilespmem:$0x8080] =	vst v63  }
0x1e: {  	_ =	swait.ge [sflag:s6], $0x80  }
0x1f: {  	[sflag:s6] =	ssyncset.done $0x0  }
0x20: {  	[sflag:s6] =	ssyncadd.s32 $0xFFFFFF80  }
0x21: {  	[tilespmem:s7], [sflag:$0x1] =	stream.indirect.gather [hbm4b:s1+s7], $0x80, s4, s7, $0xb8;
	[tilespmem:$0x8080] =	vst v63  }
0x22: {  	_ = 	snop  }
0x23: {  	[tilespmem:s8], [sflag:$0x2] =	stream.indirect.gather [hbm4b:s2+s7], $0x80, s4, s7, $0xb8;
	[tilespmem:$0x8080] =	vst v63  }
0x24: {  	_ =	swait.ge [sflag:s9], $0x4000  }
0x25: {  	[sflag:s9] =	ssyncset.done $0x0  }
0x26: {  	[sflag:s9] =	ssyncadd.s32 $0xFFFFC000  }
0x27: {  	[hbm4b:s10+s4] =	stream.linear.scatter [tilespmem:s7], [sflag:$0x3], $0x4000, $0x38;
	[tilespmem:$0x8080] =	vst v63  }
0x28: {  	_ =	swait.ge [sflag:s11], $0x4000  }
0x29: {  	[sflag:s11] =	ssyncset.done $0x0  }
0x2a: {  	[sflag:s11] =	ssyncadd.s32 $0xFFFFC000  }
0x2b: {  	[hbm4b:s13+s4] =	stream.linear.scatter [tilespmem:s8], [sflag:$0x3], $0x4000, $0x38;
	[tilespmem:$0x8080] =	vst v63  }
.Ltmp1:
0x2c: {  	_ =	swait.ge [sflag:s12], $0x4000;
	(pc) =	sbr.rel @p0 .LBB2_1-.Ltmp1, $4  }
0x2d: {  	[sflag:s12] =	ssyncset.done $0x0  }
0x2e: {  	[sflag:s12] =	ssyncadd.s32 $0xFFFFC000  }
0x2f: {  	_ =	swait.ge [sflag:s12], $0x4000  }
0x30: {  	[sflag:s12] =	ssyncset.done $0x0  }
.LBB2_2:
0x31: {  	[sflag:s12] =	ssyncadd.s32 $0xFFFFC000  }
0x32: {  	_ =	sfence.sel $0x180000  }
0x33: {  	[bflag:$0x0] =	sbarrier.arrive $0xFFFF  }
0x34: {  	p0 =	sne.s32 s0, $0x0;
	_ =	strace $0x90000047  }
0x35: {  	s0 =	sadd.s32 @!p0 $0x100000, s3;
	[bflag:$0x2] =	sbarrier.arrive $0xFFFF  }
0x36: {  	[sflag:s0] =	ssyncadd.tile.s32 @!p0 $0x1;
	_ =	shalt  }
.Lfunc_end2:
_tile_overlayer_lowered:
.L_overlay_start_2:
0x37: {  	(tag) =	ssettag $0x2  }
0x38: {  	s0 =	rddreg [dreg:$0x0];
	s2 =	stileid.u32  }
0x39: {  	s1 =	rddreg [dreg:$0x1];
	p0 =	sne.s32 s2, $0x0  }
0x3a: {  	s3 =	rddreg [dreg:$0x2];
	[bflag:$0x3] =	sbarrier.arrive $0xFFFF;
	s2 =	simm.s32 @!p0 $0x1C04  }
0x3b: {  	[timem:s3], [sflag:s2] =	dma.local @!p0 [hbm:s0], s1  }
0x3c: {  	s0 =	simm.s32 @!p0 $0x4  }
0x3d: {  	_ =	swait.ge @!p0 [sflag:s0], s1  }
0x3e: {  	s1 =	ssub.s32 @!p0 $0x0, s1;
	[sflag:s0] =	ssyncset.done @!p0 $0x0  }
0x3f: {  	[sflag:s0] =	ssyncadd.s32 @!p0 s1  }
0x40: {  	[bflag:$0x3] =	sbarrier.arrive $0xFFFF  }
0x41: {  	_ =	shalt  }

</sc_bundles>
